<compile_context>
chip_gen: v7x
topology: tpu7x:2x2x1
jax: 0.10.2.dev20260603
libtpu: 0.0.44.dev20260713+nightly
codegen_flags: <defaults>
</compile_context>

<pallas_src>
import functools

import jax
import jax.numpy as jnp
from jax import lax
from jax.experimental import pallas as pl
from jax.experimental.pallas import tpu as pltpu
from jax.experimental.pallas import tpu_sc as plsc

_B = 16
_DQ = 1024
_DP = 64
_TOPK = 8
_KBLK = 8192
_VBLK = 3200



def _scan_body(nblk, k_db, qv_ref, wp_ref, bp_ref, keys_ref,
               vals_ref, idx_ref, q_ref, dist_ref):
    j = pl.program_id(0)

    @pl.when(j == 0)
    def _init():
        q = jnp.dot(qv_ref[...], wp_ref[...],
                    preferred_element_type=jnp.float32) + bp_ref[...]
        q_ref[...] = q
        vals_ref[...] = jnp.full((_B, _TOPK), jnp.inf, jnp.float32)
        idx_ref[...] = jnp.zeros((_B, _TOPK), jnp.int32)

    q = q_ref[...]
    k = keys_ref[...]
    qk = lax.dot_general(q, k, (((1,), (1,)), ((), ())),
                         preferred_element_type=jnp.float32)
    sk = lax.dot_general(jnp.ones((1, _DP), jnp.float32), k * k,
                         (((1,), (1,)), ((), ())),
                         preferred_element_type=jnp.float32,
                         precision=lax.Precision.HIGHEST)
    base = j * _KBLK
    colid = lax.broadcasted_iota(jnp.int32, (_B, _KBLK), 1)
    valid = (colid + base) < k_db
    dist = jnp.where(valid, sk - 2.0 * qk, jnp.inf)

    thr = vals_ref[:, _TOPK - 1:_TOPK]
    cnt = jnp.sum(jnp.where(dist < thr, 1.0, 0.0), axis=1)
    cmax = jnp.max(cnt)

    @pl.when(cmax > 0.0)
    def _stage():
        dist_ref[...] = dist

    for t in range(_TOPK):
        @pl.when(cmax > float(t))
        def _extract():
            d = dist_ref[...]
            m = jnp.min(d, axis=1, keepdims=True)
            am = jnp.min(jnp.where(d == m, colid, jnp.int32(0x7FFFFFFF)),
                         axis=1, keepdims=True)
            dist_ref[...] = jnp.where(colid == am, jnp.inf, d)
            gidx = am + base
            rv = vals_ref[...]
            ri = idx_ref[...]
            le = m < rv
            rv_sh = jnp.concatenate(
                [jnp.full((_B, 1), -jnp.inf, jnp.float32), rv[:, :_TOPK - 1]],
                axis=1)
            prev_le = m < rv_sh
            ri_sh = jnp.concatenate([ri[:, :1], ri[:, :_TOPK - 1]], axis=1)
            mb = jnp.broadcast_to(m, (_B, _TOPK))
            gb = jnp.broadcast_to(gidx, (_B, _TOPK))
            vals_ref[...] = jnp.where(le, jnp.where(prev_le, rv_sh, mb), rv)
            idx_ref[...] = jnp.where(le, jnp.where(prev_le, ri_sh, gb), ri)

    @pl.when(j == nblk - 1)
    def _finalize():
        sq = jnp.sum(q * q, axis=1, keepdims=True)
        vals_ref[...] = vals_ref[...] + sq


def _knn_scan(query_vec, W_proj, b_proj, keys, interpret=False):
    k_db = keys.shape[0]
    nblk = pl.cdiv(k_db, _KBLK)
    return pl.pallas_call(
        functools.partial(_scan_body, nblk, k_db),
        grid=(nblk,),
        in_specs=[
            pl.BlockSpec((_B, _DQ), lambda j: (0, 0)),
            pl.BlockSpec((_DQ, _DP), lambda j: (0, 0)),
            pl.BlockSpec((1, _DP), lambda j: (0, 0)),
            pl.BlockSpec((_KBLK, _DP), lambda j: (j, 0)),
        ],
        out_specs=[
            pl.BlockSpec((_B, _TOPK), lambda j: (0, 0)),
            pl.BlockSpec((_B, _TOPK), lambda j: (0, 0)),
        ],
        out_shape=[
            jax.ShapeDtypeStruct((_B, _TOPK), jnp.float32),
            jax.ShapeDtypeStruct((_B, _TOPK), jnp.int32),
        ],
        scratch_shapes=[
            pltpu.VMEM((_B, _DP), jnp.float32),
            pltpu.VMEM((_B, _KBLK), jnp.float32),
        ],
        interpret=interpret,
    )(query_vec, W_proj, b_proj.reshape(1, _DP), keys)



def _make_gather():
    mesh = plsc.VectorSubcoreMesh(core_axis_name="c", subcore_axis_name="s")

    @functools.partial(
        pl.kernel,
        out_type=jax.ShapeDtypeStruct((_B * _TOPK, _DP), jnp.float32),
        mesh=mesh,
        scratch_types=[
            pltpu.VMEM((16,), jnp.int32),
            pltpu.VMEM((16, _DP), jnp.float32),
            pltpu.SemaphoreType.DMA,
        ],
        compiler_params=pltpu.CompilerParams(
            needs_layout_passes=False, use_tc_tiling_on_sc=False),
    )
    def gather_rows(keys_hbm, idx_hbm, out_hbm, idx_v, rows_v, sem):
        wid = lax.axis_index("s") * 2 + lax.axis_index("c")

        @pl.when(wid < _B)
        def _():
            base = wid * _TOPK
            idx_v[...] = jnp.zeros((16,), jnp.int32)
            pltpu.sync_copy(idx_hbm.at[pl.ds(base, _TOPK)],
                            idx_v.at[pl.ds(0, _TOPK)])
            pltpu.async_copy(keys_hbm.at[idx_v], rows_v, sem).wait()
            pltpu.sync_copy(rows_v.at[pl.ds(0, _TOPK)],
                            out_hbm.at[pl.ds(base, _TOPK)])

    return gather_rows



def _decode_body(qv_ref, rows_ref, wf_ref, bf_ref, wd_ref, bd_ref,
                 out_ref, fv_ref):
    @pl.when(pl.program_id(0) == 0)
    def _fuse():
        sel = rows_ref[...]
        bi = lax.broadcasted_iota(jnp.int32, (_B, _B * _TOPK), 0)
        ci = lax.broadcasted_iota(jnp.int32, (_B, _B * _TOPK), 1)
        pool_mat = jnp.where((ci >> 3) == bi, 1.0 / _TOPK, 0.0)
        pooled = jnp.dot(pool_mat, sel,
                         preferred_element_type=jnp.float32,
                         precision=lax.Precision.HIGHEST)
        fv = (jnp.dot(qv_ref[...], wf_ref[: _DQ, :],
                      preferred_element_type=jnp.float32)
              + jnp.dot(pooled, wf_ref[_DQ:, :],
                        preferred_element_type=jnp.float32)
              + bf_ref[...])
        fv_ref[...] = jnp.tanh(fv)

    out_ref[...] = jnp.dot(fv_ref[...], wd_ref[...],
                           preferred_element_type=jnp.float32) + bd_ref[...]


def _fuse_decode(query_vec, rows, W_fuse, b_fuse, W_dec, b_dec,
                 interpret=False):
    d_in = W_fuse.shape[0]
    d_fused = W_fuse.shape[1]
    vocab = W_dec.shape[1]
    nv = vocab // _VBLK
    nr = _B * _TOPK
    return pl.pallas_call(
        _decode_body,
        grid=(nv,),
        in_specs=[
            pl.BlockSpec((_B, _DQ), lambda v: (0, 0)),
            pl.BlockSpec((nr, _DP), lambda v: (0, 0)),
            pl.BlockSpec((d_in, d_fused), lambda v: (0, 0)),
            pl.BlockSpec((1, d_fused), lambda v: (0, 0)),
            pl.BlockSpec((d_fused, _VBLK), lambda v: (0, v)),
            pl.BlockSpec((1, _VBLK), lambda v: (0, v)),
        ],
        out_specs=pl.BlockSpec((_B, _VBLK), lambda v: (0, v)),
        out_shape=jax.ShapeDtypeStruct((_B, vocab), jnp.float32),
        scratch_shapes=[pltpu.VMEM((_B, d_fused), jnp.float32)],
        interpret=interpret,
    )(query_vec, rows, W_fuse, b_fuse.reshape(1, d_fused), W_dec,
      b_dec.reshape(1, vocab))



def kernel(text_embed, img_embed, keys, W_proj, b_proj, W_fuse, b_fuse,
           W_dec, b_dec):
    query_vec = jnp.concatenate([text_embed, img_embed], axis=-1)
    distances, top_idx = _knn_scan(query_vec, W_proj, b_proj, keys)
    flat_idx = top_idx.reshape(-1)
    rows = _make_gather()(keys, flat_idx)
    output = _fuse_decode(query_vec, rows, W_fuse, b_fuse, W_dec, b_dec)
    return (output, distances)

# --- scband reference (transcript-rebuilt; emitter-appended) ---
"""Pipeline reference for scband-vlmrag-65773129171071 (READ-ONLY COPY).

The authoritative reference and input builder live on the scoring server;
editing this copy changes nothing except your own understanding.
"""

import jax, jax.numpy as jnp
import numpy as np

B, D_TXT, D_IMG = 16, 512, 512
K_DB, D_PROJ = 1000000, 64
D_FUSED, VOCAB, TOPK = 1024, 32000, 8

def setup_inputs(seed: int = 0) -> dict:
    key = jax.random.key(seed)
    ks = jax.random.split(key, 10)
    text_embed = jax.random.normal(ks[0], (B, D_TXT), dtype=jnp.float32)
    img_embed = jax.random.normal(ks[1], (B, D_IMG), dtype=jnp.float32)
    keys = jax.random.normal(ks[2], (K_DB, D_PROJ), dtype=jnp.float32)
    W_proj = jax.random.normal(ks[3], (D_TXT + D_IMG, D_PROJ), dtype=jnp.float32) * 0.02
    b_proj = jnp.zeros((D_PROJ,), dtype=jnp.float32)
    W_fuse = jax.random.normal(ks[4], (D_TXT + D_IMG + D_PROJ, D_FUSED), dtype=jnp.float32) * 0.02
    b_fuse = jnp.zeros((D_FUSED,), dtype=jnp.float32)
    W_dec = jax.random.normal(ks[5], (D_FUSED, VOCAB), dtype=jnp.float32) * 0.02
    b_dec = jnp.zeros((VOCAB,), dtype=jnp.float32)
    return {"text_embed": text_embed, "img_embed": img_embed, "keys": keys,
            "W_proj": W_proj, "b_proj": b_proj, "W_fuse": W_fuse, "b_fuse": b_fuse,
            "W_dec": W_dec, "b_dec": b_dec}

def reference(text_embed, img_embed, keys, W_proj, b_proj, W_fuse, b_fuse, W_dec, b_dec):
    # query_vec = cat([text_embed, img_embed])
    query_vec = jnp.concatenate([text_embed, img_embed], axis=-1)  # [B, 1024]
    # Retriever.project: project joint query into index space
    q = query_vec @ W_proj + b_proj  # [B, D_PROJ]
    # L2 distance to every key in the database (memory-bound scan over K_DB rows)
    sq = jnp.sum(q * q, axis=-1, keepdims=True)            # [B, 1]
    sk = jnp.sum(keys * keys, axis=-1)                      # [K_DB]
    dist = sq - 2.0 * (q @ keys.T) + sk[None, :]            # [B, K_DB]
    neg_vals, top_idx = jax.lax.top_k(-dist, TOPK)          # nearest = smallest distance
    distances = -neg_vals                                   # [B, TOPK]
    retrieved_vecs = jnp.take(keys, top_idx, axis=0)        # [B, TOPK, D_PROJ]
    # FusionModule: pool retrieved vectors and fuse with query
    pooled = jnp.mean(retrieved_vecs, axis=1)               # [B, D_PROJ]
    fused_in = jnp.concatenate([query_vec, pooled], axis=-1)
    fused_vec = jnp.tanh(fused_in @ W_fuse + b_fuse)        # [B, D_FUSED]
    # Decoder.projection: logits over vocab (inference mode)
    output = fused_vec @ W_dec + b_dec                      # [B, VOCAB]
    return (output, distances)

if __name__ == "__main__":
    import jax
    _d = setup_inputs()
    print(jax.jit(kernel)(*tuple(_d.values())))

</pallas_src>

<mosaic_0001>
#map = affine_map<(d0, d1) -> (0, 0)>
#map1 = affine_map<(d0, d1) -> (0)>
module attributes {stable_mosaic.version = 14 : i64} {
  func.func @gather_rows(%arg0: i32, %arg1: i32, %arg2: memref<1000000x64xf32, #tpu.memory_space<hbm>>, %arg3: memref<128xi32, #tpu.memory_space<hbm>>, %arg4: memref<128x64xf32, #tpu.memory_space<hbm>>, %arg5: memref<16xi32, #tpu.memory_space<vmem>>, %arg6: memref<16x64xf32, #tpu.memory_space<vmem>>, %arg7: memref<!tpu.dma_semaphore, #tpu.memory_space<semaphore_mem>>) attributes {dimension_semantics = [#tpu.dimension_semantics<core_parallel>, #tpu.dimension_semantics<subcore_parallel>], iteration_bounds = array<i64: 2, 16>, scalar_prefetch = 0 : i64, scratch_operands = 3 : i64, tpu.core_type = #tpu.core_type<sc_vector_subcore>, window_params = [{transform_indices = #map}, {transform_indices = #map1}, {transform_indices = #map}]} {
    %mul3A = arith.constant 2 : i32
    %mul3A_0 = arith.muli %arg1, %mul3A : i32
    %add3A = arith.addi %mul3A_0, %arg0 : i32
    %lt3A = arith.constant 16 : i32
    %lt3A_1 = arith.cmpi slt, %add3A, %lt3A : i32
    %convert_element_type3A = arith.extui %lt3A_1 : i1 to i32
    %cond3A = arith.constant 0 : i32
    %cond3A_2 = arith.cmpi ne, %convert_element_type3A, %cond3A : i32
    scf.if %cond3A_2 {
      %mul3A_3 = arith.constant 8 : i32
      %mul3A_4 = arith.muli %add3A, %mul3A_3 : i32
      %broadcast_in_dim3A = arith.constant 0 : i32
      %broadcast_in_dim3A_5 = vector.broadcast %broadcast_in_dim3A : i32 to vector<16xi32>
      %swap3A = arith.constant 0 : index
      %swap3A_6 = tpu.vector_load %arg5[%swap3A] {strides = array<i32>} : memref<16xi32, #tpu.memory_space<vmem>>, vector<16xi32>,
      tpu.vector_store %arg5[%swap3A], %broadcast_in_dim3A_5 {strides = array<i32>} : memref<16xi32, #tpu.memory_space<vmem>>, vector<16xi32>,
      "tpu.region"() ({
        %run_scoped3A = tpu.sem_alloc : memref<!tpu.dma_semaphore, #tpu.memory_space<semaphore_mem>>
        %dma_start3A_11 = arith.constant 0 : i32
        %dma_start3A_12 = tpu.memref_slice %arg5[%dma_start3A_11] : memref<16xi32, #tpu.memory_space<vmem>> -> memref<8xi32, #tpu.memory_space<vmem>>
        %dma_start3A_13 = tpu.memref_slice %arg3[%mul3A_4] : memref<128xi32, #tpu.memory_space<hbm>> -> memref<8xi32, #tpu.memory_space<hbm>>
        %dma_start3A_14 = arith.constant 0 : i32
        %dma_start3A_15 = tpu.memref_slice %arg5[%dma_start3A_14] : memref<16xi32, #tpu.memory_space<vmem>> -> memref<8xi32, #tpu.memory_space<vmem>>
        %dma_start3A_16 = tpu.memref_slice %arg3[%mul3A_4] : memref<128xi32, #tpu.memory_space<hbm>> -> memref<8xi32, #tpu.memory_space<hbm>>
        tpu.enqueue_dma source(%dma_start3A_16 : memref<8xi32, #tpu.memory_space<hbm>>) target(%dma_start3A_15 : memref<8xi32, #tpu.memory_space<vmem>>) target_semaphore(%run_scoped3A : memref<!tpu.dma_semaphore, #tpu.memory_space<semaphore_mem>>)
        %dma_wait3A_17 = arith.constant 0 : i32
        %dma_wait3A_18 = tpu.memref_slice %arg5[%dma_wait3A_17] : memref<16xi32, #tpu.memory_space<vmem>> -> memref<8xi32, #tpu.memory_space<vmem>>
        %dma_wait3A_19 = tpu.memref_slice %arg3[%mul3A_4] : memref<128xi32, #tpu.memory_space<hbm>> -> memref<8xi32, #tpu.memory_space<hbm>>
        %dma_wait3A_20 = arith.constant 0 : i32
        %dma_wait3A_21 = tpu.memref_slice %arg5[%dma_wait3A_20] : memref<16xi32, #tpu.memory_space<vmem>> -> memref<8xi32, #tpu.memory_space<vmem>>
        %dma_wait3A_22 = tpu.memref_slice %arg3[%mul3A_4] : memref<128xi32, #tpu.memory_space<hbm>> -> memref<8xi32, #tpu.memory_space<hbm>>
        tpu.wait_dma2 semaphore(%run_scoped3A : memref<!tpu.dma_semaphore, #tpu.memory_space<semaphore_mem>>) src(%dma_wait3A_22 : memref<8xi32, #tpu.memory_space<hbm>>) dst(%dma_wait3A_21 : memref<8xi32, #tpu.memory_space<vmem>>)
        tpu.yield
      }) : () -> ()
      %dma_start3A = arith.constant 0 : i32
      %dma_start3A_7 = arith.constant 0 : i32
      %dma_start3A_8 = tpu.memref_slice %arg2[%dma_start3A, %dma_start3A_7] : memref<1000000x64xf32, #tpu.memory_space<hbm>> -> memref<1000000x64xf32, #tpu.memory_space<hbm>>
      tpu.enqueue_indirect_dma source(%dma_start3A_8 : memref<1000000x64xf32, #tpu.memory_space<hbm>>) target(%arg6 : memref<16x64xf32, #tpu.memory_space<vmem>>) offsets(%arg5 : memref<16xi32, #tpu.memory_space<vmem>>) semaphore(%arg7 : memref<!tpu.dma_semaphore, #tpu.memory_space<semaphore_mem>>)
      %dma_wait3A = arith.constant 0 : i32
      %dma_wait3A_9 = arith.constant 0 : i32
      %dma_wait3A_10 = tpu.memref_slice %arg2[%dma_wait3A, %dma_wait3A_9] : memref<1000000x64xf32, #tpu.memory_space<hbm>> -> memref<1000000x64xf32, #tpu.memory_space<hbm>>
      tpu.wait_indirect_dma semaphore(%arg7 : memref<!tpu.dma_semaphore, #tpu.memory_space<semaphore_mem>>) src(%dma_wait3A_10 : memref<1000000x64xf32, #tpu.memory_space<hbm>>) dst(%arg6 : memref<16x64xf32, #tpu.memory_space<vmem>>)
      "tpu.region"() ({
        %run_scoped3A = tpu.sem_alloc : memref<!tpu.dma_semaphore, #tpu.memory_space<semaphore_mem>>
        %dma_start3A_11 = arith.constant 0 : i32
        %dma_start3A_12 = arith.constant 0 : i32
        %dma_start3A_13 = tpu.memref_slice %arg6[%dma_start3A_11, %dma_start3A_12] : memref<16x64xf32, #tpu.memory_space<vmem>> -> memref<8x64xf32, #tpu.memory_space<vmem>>
        %dma_start3A_14 = arith.constant 0 : i32
        %dma_start3A_15 = tpu.memref_slice %arg4[%mul3A_4, %dma_start3A_14] : memref<128x64xf32, #tpu.memory_space<hbm>> -> memref<8x64xf32, #tpu.memory_space<hbm>>
        %dma_start3A_16 = arith.constant 0 : i32
        %dma_start3A_17 = tpu.memref_slice %arg4[%mul3A_4, %dma_start3A_16] : memref<128x64xf32, #tpu.memory_space<hbm>> -> memref<8x64xf32, #tpu.memory_space<hbm>>
        %dma_start3A_18 = arith.constant 0 : i32
        %dma_start3A_19 = arith.constant 0 : i32
        %dma_start3A_20 = tpu.memref_slice %arg6[%dma_start3A_18, %dma_start3A_19] : memref<16x64xf32, #tpu.memory_space<vmem>> -> memref<8x64xf32, #tpu.memory_space<vmem>>
        tpu.enqueue_dma source(%dma_start3A_20 : memref<8x64xf32, #tpu.memory_space<vmem>>) target(%dma_start3A_17 : memref<8x64xf32, #tpu.memory_space<hbm>>) target_semaphore(%run_scoped3A : memref<!tpu.dma_semaphore, #tpu.memory_space<semaphore_mem>>)
        %dma_wait3A_21 = arith.constant 0 : i32
        %dma_wait3A_22 = arith.constant 0 : i32
        %dma_wait3A_23 = tpu.memref_slice %arg6[%dma_wait3A_21, %dma_wait3A_22] : memref<16x64xf32, #tpu.memory_space<vmem>> -> memref<8x64xf32, #tpu.memory_space<vmem>>
        %dma_wait3A_24 = arith.constant 0 : i32
        %dma_wait3A_25 = tpu.memref_slice %arg4[%mul3A_4, %dma_wait3A_24] : memref<128x64xf32, #tpu.memory_space<hbm>> -> memref<8x64xf32, #tpu.memory_space<hbm>>
        %dma_wait3A_26 = arith.constant 0 : i32
        %dma_wait3A_27 = tpu.memref_slice %arg4[%mul3A_4, %dma_wait3A_26] : memref<128x64xf32, #tpu.memory_space<hbm>> -> memref<8x64xf32, #tpu.memory_space<hbm>>
        %dma_wait3A_28 = arith.constant 0 : i32
        %dma_wait3A_29 = arith.constant 0 : i32
        %dma_wait3A_30 = tpu.memref_slice %arg6[%dma_wait3A_28, %dma_wait3A_29] : memref<16x64xf32, #tpu.memory_space<vmem>> -> memref<8x64xf32, #tpu.memory_space<vmem>>
        tpu.wait_dma2 semaphore(%run_scoped3A : memref<!tpu.dma_semaphore, #tpu.memory_space<semaphore_mem>>) src(%dma_wait3A_30 : memref<8x64xf32, #tpu.memory_space<vmem>>) dst(%dma_wait3A_27 : memref<8x64xf32, #tpu.memory_space<hbm>>)
        tpu.yield
      }) : () -> ()
    } else {
    }
    return
  }
}

module attributes {stable_mosaic.version = 14 : i64} {
  func.func @_scan_body(%arg0: i32, %arg1: memref<16x1024xf32, #tpu.memory_space<vmem>>, %arg2: memref<1024x64xf32, #tpu.memory_space<vmem>>, %arg3: memref<1x64xf32, #tpu.memory_space<vmem>>, %arg4: memref<8192x64xf32, #tpu.memory_space<vmem>>, %arg5: memref<16x8xf32, #tpu.memory_space<vmem>>, %arg6: memref<16x8xi32, #tpu.memory_space<vmem>>, %arg7: memref<16x64xf32, #tpu.memory_space<vmem>>, %arg8: memref<16x8192xf32, #tpu.memory_space<vmem>>) attributes {dimension_semantics = [#tpu.dimension_semantics<arbitrary>], iteration_bounds = array<i64: 123>, scalar_prefetch = 0 : i64, scratch_operands = 2 : i64, tpu.core_type = #tpu.core_type<tc>, window_params = [{pipeline_mode = #tpu.pipeline_mode<synchronous>, transform_indices = @transform_0, window_bounds = array<i64: 16, 1024>}, {pipeline_mode = #tpu.pipeline_mode<synchronous>, transform_indices = @transform_1, window_bounds = array<i64: 1024, 64>}, {pipeline_mode = #tpu.pipeline_mode<synchronous>, transform_indices = @transform_2, window_bounds = array<i64: 1, 64>}, {transform_indices = @transform_3, window_bounds = array<i64: 8192, 64>}, {pipeline_mode = #tpu.pipeline_mode<synchronous>, transform_indices = @transform_4, window_bounds = array<i64: 16, 8>}, {pipeline_mode = #tpu.pipeline_mode<synchronous>, transform_indices = @transform_5, window_bounds = array<i64: 16, 8>}]} {
    %eq3A = arith.constant 0 : i32
    %eq3A_0 = arith.cmpi eq, %arg0, %eq3A : i32
    %convert_element_type3A = arith.extui %eq3A_0 : i1 to i32
    %cond3A = arith.constant 0 : i32
    %cond3A_1 = arith.cmpi ne, %convert_element_type3A, %cond3A : i32
    scf.if %cond3A_1 {
      %get3A_85 = arith.constant 0 : index
      %get3A_86 = arith.constant 0 : index
      %get3A_87 = vector.load %arg1[%get3A_85, %get3A_86] : memref<16x1024xf32, #tpu.memory_space<vmem>>, vector<16x1024xf32>
      %get3A_88 = arith.constant 0 : index
      %get3A_89 = arith.constant 0 : index
      %get3A_90 = vector.load %arg2[%get3A_88, %get3A_89] : memref<1024x64xf32, #tpu.memory_space<vmem>>, vector<1024x64xf32>
      %dot_general3A_91 = arith.constant dense<0.000000e+00> : vector<16x64xf32>
      %dot_general3A_92 = tpu.matmul %get3A_87, %get3A_90, %dot_general3A_91 {dimension_numbers = #tpu.dot_dimension_numbers<[1], [0], [0], [1], [0, 0, 1, 1], [], []>, transpose_lhs_hint = false} : vector<16x1024xf32>, vector<1024x64xf32>, vector<16x64xf32> -> vector<16x64xf32>
      %get3A_93 = arith.constant 0 : index
      %get3A_94 = arith.constant 0 : index
      %get3A_95 = vector.load %arg3[%get3A_93, %get3A_94] : memref<1x64xf32, #tpu.memory_space<vmem>>, vector<1x64xf32>
      %add3A_96 = vector.broadcast %get3A_95 : vector<1x64xf32> to vector<16x64xf32>
      %add3A_97 = arith.addf %dot_general3A_92, %add3A_96 : vector<16x64xf32>
      %swap3A = arith.constant 0 : index
      %swap3A_98 = arith.constant 0 : index
      %swap3A_99 = vector.load %arg7[%swap3A, %swap3A_98] : memref<16x64xf32, #tpu.memory_space<vmem>>, vector<16x64xf32>
      tpu.vector_store %arg7[%swap3A, %swap3A_98], %add3A_97 {strides = array<i32>} : memref<16x64xf32, #tpu.memory_space<vmem>>, vector<16x64xf32>,
      %broadcast_in_dim3A_100 = arith.constant 0x7F800000 : f32
      %broadcast_in_dim3A_101 = vector.broadcast %broadcast_in_dim3A_100 : f32 to vector<16x8xf32>
      %swap3A_102 = arith.constant 0 : index
      %swap3A_103 = arith.constant 0 : index
      %swap3A_104 = vector.load %arg5[%swap3A_102, %swap3A_103] : memref<16x8xf32, #tpu.memory_space<vmem>>, vector<16x8xf32>
      tpu.vector_store %arg5[%swap3A_102, %swap3A_103], %broadcast_in_dim3A_101 {strides = array<i32>} : memref<16x8xf32, #tpu.memory_space<vmem>>, vector<16x8xf32>,
      %broadcast_in_dim3A_105 = arith.constant 0 : i32
      %broadcast_in_dim3A_106 = vector.broadcast %broadcast_in_dim3A_105 : i32 to vector<16x8xi32>
      %swap3A_107 = arith.constant 0 : index
      %swap3A_108 = arith.constant 0 : index
      %swap3A_109 = vector.load %arg6[%swap3A_107, %swap3A_108] : memref<16x8xi32, #tpu.memory_space<vmem>>, vector<16x8xi32>
      tpu.vector_store %arg6[%swap3A_107, %swap3A_108], %broadcast_in_dim3A_106 {strides = array<i32>} : memref<16x8xi32, #tpu.memory_space<vmem>>, vector<16x8xi32>,
    } else {
    }
    %get3A = arith.constant 0 : index
    %get3A_2 = arith.constant 0 : index
    %get3A_3 = vector.load %arg7[%get3A, %get3A_2] : memref<16x64xf32, #tpu.memory_space<vmem>>, vector<16x64xf32>
    %get3A_4 = arith.constant 0 : index
    %get3A_5 = arith.constant 0 : index
    %get3A_6 = vector.load %arg4[%get3A_4, %get3A_5] : memref<8192x64xf32, #tpu.memory_space<vmem>>, vector<8192x64xf32>
    %dot_general3A = arith.constant dense<0.000000e+00> : vector<16x8192xf32>
    %dot_general3A_7 = tpu.matmul %get3A_3, %get3A_6, %dot_general3A {dimension_numbers = #tpu.dot_dimension_numbers<[1], [1], [0], [0], [0, 0, 1, 0], [], []>, transpose_lhs_hint = false} : vector<16x64xf32>, vector<8192x64xf32>, vector<16x8192xf32> -> vector<16x8192xf32>
    %broadcast_in_dim3A = arith.constant 1.000000e+00 : f32
    %broadcast_in_dim3A_8 = vector.broadcast %broadcast_in_dim3A : f32 to vector<1x64xf32>
    %mul3A = arith.mulf %get3A_6, %get3A_6 : vector<8192x64xf32>
    %dot_general3A_9 = arith.constant dense<0.000000e+00> : vector<1x8192xf32>
    %dot_general3A_10 = tpu.matmul %broadcast_in_dim3A_8, %mul3A, %dot_general3A_9 {dimension_numbers = #tpu.dot_dimension_numbers<[1], [1], [0], [0], [0, 0, 1, 0], [], []>, precision = #tpu.contract_precision<fp32>, transpose_lhs_hint = false} : vector<1x64xf32>, vector<8192x64xf32>, vector<1x8192xf32> -> vector<1x8192xf32>
    %mul3A_11 = arith.constant 8192 : i32
    %mul3A_12 = arith.muli %arg0, %mul3A_11 : i32
    %iota3A = tpu.iota {dimensions = array<i32: 1>} : vector<16x8192xi32>
    %add3A = vector.broadcast %mul3A_12 : i32 to vector<16x8192xi32>
    %add3A_13 = arith.addi %iota3A, %add3A : vector<16x8192xi32>
    %lt3A = arith.constant 1000000 : i32
    %lt3A_14 = vector.broadcast %lt3A : i32 to vector<16x8192xi32>
    %lt3A_15 = arith.cmpi slt, %add3A_13, %lt3A_14 : vector<16x8192xi32>
    %mul3A_16 = arith.constant 2.000000e+00 : f32
    %mul3A_17 = vector.broadcast %mul3A_16 : f32 to vector<16x8192xf32>
    %mul3A_18 = arith.mulf %mul3A_17, %dot_general3A_7 : vector<16x8192xf32>
    %sub3A = vector.broadcast %dot_general3A_10 : vector<1x8192xf32> to vector<16x8192xf32>
    %sub3A_19 = arith.subf %sub3A, %mul3A_18 : vector<16x8192xf32>
    %jit3A = arith.constant 0x7F800000 : f32
    %broadcast_in_dim3A_20 = vector.broadcast %jit3A : f32 to vector<16x8192xf32>
    %select_n3A = arith.select %lt3A_15, %sub3A_19, %broadcast_in_dim3A_20 : vector<16x8192xi1>, vector<16x8192xf32>
    %get3A_21 = arith.constant 0 : index
    %get3A_22 = arith.constant 7 : index
    %get3A_23 = vector.load %arg5[%get3A_21, %get3A_22] : memref<16x8xf32, #tpu.memory_space<vmem>>, vector<16x1xf32>
    %lt3A_24 = vector.broadcast %get3A_23 : vector<16x1xf32> to vector<16x8192xf32>
    %lt3A_25 = arith.cmpf olt, %select_n3A, %lt3A_24 : vector<16x8192xf32>
    %jit3A_26 = arith.constant 1.000000e+00 : f32
    %jit3A_27 = arith.constant 0.000000e+00 : f32
    %broadcast_in_dim3A_28 = vector.broadcast %jit3A_26 : f32 to vector<16x8192xf32>
    %broadcast_in_dim3A_29 = vector.broadcast %jit3A_27 : f32 to vector<16x8192xf32>
    %select_n3A_30 = arith.select %lt3A_25, %broadcast_in_dim3A_28, %broadcast_in_dim3A_29 : vector<16x8192xi1>, vector<16x8192xf32>
    %reduce_sum3A = arith.constant dense<0.000000e+00> : vector<16xf32>
    %reduce_sum3A_31 = vector.multi_reduction <add>, %select_n3A_30, %reduce_sum3A [1] : vector<16x8192xf32> to vector<16xf32>
    %reduce_max3A = vector.shape_cast %reduce_sum3A_31 : vector<16xf32> to vector<1x16xf32>
    %reduce_max3A_32 = arith.constant dense<0xFF800000> : vector<1xf32>
    %reduce_max3A_33 = vector.multi_reduction <maximumf>, %reduce_max3A, %reduce_max3A_32 [1] : vector<1x16xf32> to vector<1xf32>
    %reduce_max3A_34 = vector.shape_cast %reduce_max3A_33 : vector<1xf32> to vector<1x1xf32>
    %reduce_max3A_35 = vector.extract %reduce_max3A_34[0, 0] : f32 from vector<1x1xf32>
    %gt3A = arith.constant 0.000000e+00 : f32
    %gt3A_36 = arith.cmpf ogt, %reduce_max3A_35, %gt3A : f32
    %convert_element_type3A_37 = arith.extui %gt3A_36 : i1 to i32
    %cond3A_38 = arith.constant 0 : i32
    %cond3A_39 = arith.cmpi ne, %convert_element_type3A_37, %cond3A_38 : i32
    scf.if %cond3A_39 {
      %swap3A = arith.constant 0 : index
      %swap3A_85 = arith.constant 0 : index
      %swap3A_86 = vector.load %arg8[%swap3A, %swap3A_85] : memref<16x8192xf32, #tpu.memory_space<vmem>>, vector<16x8192xf32>
      tpu.vector_store %arg8[%swap3A, %swap3A_85], %select_n3A {strides = array<i32>} : memref<16x8192xf32, #tpu.memory_space<vmem>>, vector<16x8192xf32>,
    } else {
    }
    %gt3A_40 = arith.constant 0.000000e+00 : f32
    %gt3A_41 = arith.cmpf ogt, %reduce_max3A_35, %gt3A_40 : f32
    %convert_element_type3A_42 = arith.extui %gt3A_41 : i1 to i32
    %cond3A_43 = arith.constant 0 : i32
    %cond3A_44 = arith.cmpi ne, %convert_element_type3A_42, %cond3A_43 : i32
    scf.if %cond3A_44 {
      %get3A_85 = arith.constant 0 : index
      %get3A_86 = arith.constant 0 : index
      %get3A_87 = vector.load %arg8[%get3A_85, %get3A_86] : memref<16x8192xf32, #tpu.memory_space<vmem>>, vector<16x8192xf32>
      %reduce_min3A = arith.constant dense<0x7F800000> : vector<16xf32>
      %reduce_min3A_88 = vector.multi_reduction <minimumf>, %get3A_87, %reduce_min3A [1] : vector<16x8192xf32> to vector<16xf32>
      %broadcast_in_dim3A_89 = vector.shape_cast %reduce_min3A_88 : vector<16xf32> to vector<16x1xf32>
      %eq3A_90 = vector.broadcast %broadcast_in_dim3A_89 : vector<16x1xf32> to vector<16x8192xf32>
      %eq3A_91 = arith.cmpf oeq, %get3A_87, %eq3A_90 : vector<16x8192xf32>
      %jit3A_92 = arith.constant 2147483647 : i32
      %broadcast_in_dim3A_93 = vector.broadcast %jit3A_92 : i32 to vector<16x8192xi32>
      %select_n3A_94 = arith.select %eq3A_91, %iota3A, %broadcast_in_dim3A_93 : vector<16x8192xi1>, vector<16x8192xi32>
      %reduce_min3A_95 = arith.constant dense<2147483647> : vector<16xi32>
      %reduce_min3A_96 = vector.multi_reduction <minsi>, %select_n3A_94, %reduce_min3A_95 [1] : vector<16x8192xi32> to vector<16xi32>
      %broadcast_in_dim3A_97 = vector.shape_cast %reduce_min3A_96 : vector<16xi32> to vector<16x1xi32>
      %eq3A_98 = vector.broadcast %broadcast_in_dim3A_97 : vector<16x1xi32> to vector<16x8192xi32>
      %eq3A_99 = arith.cmpi eq, %iota3A, %eq3A_98 : vector<16x8192xi32>
      %jit3A_100 = arith.constant 0x7F800000 : f32
      %broadcast_in_dim3A_101 = vector.broadcast %jit3A_100 : f32 to vector<16x8192xf32>
      %select_n3A_102 = arith.select %eq3A_99, %broadcast_in_dim3A_101, %get3A_87 : vector<16x8192xi1>, vector<16x8192xf32>
      %swap3A = arith.constant 0 : index
      %swap3A_103 = arith.constant 0 : index
      %swap3A_104 = vector.load %arg8[%swap3A, %swap3A_103] : memref<16x8192xf32, #tpu.memory_space<vmem>>, vector<16x8192xf32>
      tpu.vector_store %arg8[%swap3A, %swap3A_103], %select_n3A_102 {strides = array<i32>} : memref<16x8192xf32, #tpu.memory_space<vmem>>, vector<16x8192xf32>,
      %add3A_105 = vector.broadcast %mul3A_12 : i32 to vector<16x1xi32>
      %add3A_106 = arith.addi %broadcast_in_dim3A_97, %add3A_105 : vector<16x1xi32>
      %get3A_107 = arith.constant 0 : index
      %get3A_108 = arith.constant 0 : index
      %get3A_109 = vector.load %arg5[%get3A_107, %get3A_108] : memref<16x8xf32, #tpu.memory_space<vmem>>, vector<16x8xf32>
      %get3A_110 = arith.constant 0 : index
      %get3A_111 = arith.constant 0 : index
      %get3A_112 = vector.load %arg6[%get3A_110, %get3A_111] : memref<16x8xi32, #tpu.memory_space<vmem>>, vector<16x8xi32>
      %lt3A_113 = vector.broadcast %broadcast_in_dim3A_89 : vector<16x1xf32> to vector<16x8xf32>
      %lt3A_114 = arith.cmpf olt, %lt3A_113, %get3A_109 : vector<16x8xf32>
      %broadcast_in_dim3A_115 = arith.constant 0xFF800000 : f32
      %broadcast_in_dim3A_116 = vector.broadcast %broadcast_in_dim3A_115 : f32 to vector<16x1xf32>
      %slice3A = vector.extract_strided_slice %get3A_109 {offsets = [0, 0], sizes = [16, 7], strides = [1, 1]} : vector<16x8xf32> to vector<16x7xf32>
      %concatenate3A = tpu.concatenate %broadcast_in_dim3A_116, %slice3A in 1 : vector<16x1xf32>, vector<16x7xf32> -> vector<16x8xf32>
      %lt3A_117 = vector.broadcast %broadcast_in_dim3A_89 : vector<16x1xf32> to vector<16x8xf32>
      %lt3A_118 = arith.cmpf olt, %lt3A_117, %concatenate3A : vector<16x8xf32>
      %slice3A_119 = vector.extract_strided_slice %get3A_112 {offsets = [0, 0], sizes = [16, 1], strides = [1, 1]} : vector<16x8xi32> to vector<16x1xi32>
      %slice3A_120 = vector.extract_strided_slice %get3A_112 {offsets = [0, 0], sizes = [16, 7], strides = [1, 1]} : vector<16x8xi32> to vector<16x7xi32>
      %concatenate3A_121 = tpu.concatenate %slice3A_119, %slice3A_120 in 1 : vector<16x1xi32>, vector<16x7xi32> -> vector<16x8xi32>
      %broadcast_in_dim3A_122 = vector.shape_cast %broadcast_in_dim3A_89 : vector<16x1xf32> to vector<16x1xf32>
      %broadcast_in_dim3A_123 = vector.broadcast %broadcast_in_dim3A_122 : vector<16x1xf32> to vector<16x8xf32>
      %broadcast_in_dim3A_124 = vector.shape_cast %add3A_106 : vector<16x1xi32> to vector<16x1xi32>
      %broadcast_in_dim3A_125 = vector.broadcast %broadcast_in_dim3A_124 : vector<16x1xi32> to vector<16x8xi32>
      %select_n3A_126 = arith.select %lt3A_118, %concatenate3A, %broadcast_in_dim3A_123 : vector<16x8xi1>, vector<16x8xf32>
      %select_n3A_127 = arith.select %lt3A_114, %select_n3A_126, %get3A_109 : vector<16x8xi1>, vector<16x8xf32>
      %swap3A_128 = arith.constant 0 : index
      %swap3A_129 = arith.constant 0 : index
      %swap3A_130 = vector.load %arg5[%swap3A_128, %swap3A_129] : memref<16x8xf32, #tpu.memory_space<vmem>>, vector<16x8xf32>
      tpu.vector_store %arg5[%swap3A_128, %swap3A_129], %select_n3A_127 {strides = array<i32>} : memref<16x8xf32, #tpu.memory_space<vmem>>, vector<16x8xf32>,
      %select_n3A_131 = arith.select %lt3A_118, %concatenate3A_121, %broadcast_in_dim3A_125 : vector<16x8xi1>, vector<16x8xi32>
      %select_n3A_132 = arith.select %lt3A_114, %select_n3A_131, %get3A_112 : vector<16x8xi1>, vector<16x8xi32>
      %swap3A_133 = arith.constant 0 : index
      %swap3A_134 = arith.constant 0 : index
      %swap3A_135 = vector.load %arg6[%swap3A_133, %swap3A_134] : memref<16x8xi32, #tpu.memory_space<vmem>>, vector<16x8xi32>
      tpu.vector_store %arg6[%swap3A_133, %swap3A_134], %select_n3A_132 {strides = array<i32>} : memref<16x8xi32, #tpu.memory_space<vmem>>, vector<16x8xi32>,
    } else {
    }
    %gt3A_45 = arith.constant 1.000000e+00 : f32
    %gt3A_46 = arith.cmpf ogt, %reduce_max3A_35, %gt3A_45 : f32
    %convert_element_type3A_47 = arith.extui %gt3A_46 : i1 to i32
    %cond3A_48 = arith.constant 0 : i32
    %cond3A_49 = arith.cmpi ne, %convert_element_type3A_47, %cond3A_48 : i32
    scf.if %cond3A_49 {
      %get3A_85 = arith.constant 0 : index
      %get3A_86 = arith.constant 0 : index
      %get3A_87 = vector.load %arg8[%get3A_85, %get3A_86] : memref<16x8192xf32, #tpu.memory_space<vmem>>, vector<16x8192xf32>
      %reduce_min3A = arith.constant dense<0x7F800000> : vector<16xf32>
      %reduce_min3A_88 = vector.multi_reduction <minimumf>, %get3A_87, %reduce_min3A [1] : vector<16x8192xf32> to vector<16xf32>
      %broadcast_in_dim3A_89 = vector.shape_cast %reduce_min3A_88 : vector<16xf32> to vector<16x1xf32>
      %eq3A_90 = vector.broadcast %broadcast_in_dim3A_89 : vector<16x1xf32> to vector<16x8192xf32>
      %eq3A_91 = arith.cmpf oeq, %get3A_87, %eq3A_90 : vector<16x8192xf32>
      %jit3A_92 = arith.constant 2147483647 : i32
      %broadcast_in_dim3A_93 = vector.broadcast %jit3A_92 : i32 to vector<16x8192xi32>
      %select_n3A_94 = arith.select %eq3A_91, %iota3A, %broadcast_in_dim3A_93 : vector<16x8192xi1>, vector<16x8192xi32>
      %reduce_min3A_95 = arith.constant dense<2147483647> : vector<16xi32>
      %reduce_min3A_96 = vector.multi_reduction <minsi>, %select_n3A_94, %reduce_min3A_95 [1] : vector<16x8192xi32> to vector<16xi32>
      %broadcast_in_dim3A_97 = vector.shape_cast %reduce_min3A_96 : vector<16xi32> to vector<16x1xi32>
      %eq3A_98 = vector.broadcast %broadcast_in_dim3A_97 : vector<16x1xi32> to vector<16x8192xi32>
      %eq3A_99 = arith.cmpi eq, %iota3A, %eq3A_98 : vector<16x8192xi32>
      %jit3A_100 = arith.constant 0x7F800000 : f32
      %broadcast_in_dim3A_101 = vector.broadcast %jit3A_100 : f32 to vector<16x8192xf32>
      %select_n3A_102 = arith.select %eq3A_99, %broadcast_in_dim3A_101, %get3A_87 : vector<16x8192xi1>, vector<16x8192xf32>
      %swap3A = arith.constant 0 : index
      %swap3A_103 = arith.constant 0 : index
      %swap3A_104 = vector.load %arg8[%swap3A, %swap3A_103] : memref<16x8192xf32, #tpu.memory_space<vmem>>, vector<16x8192xf32>
      tpu.vector_store %arg8[%swap3A, %swap3A_103], %select_n3A_102 {strides = array<i32>} : memref<16x8192xf32, #tpu.memory_space<vmem>>, vector<16x8192xf32>,
      %add3A_105 = vector.broadcast %mul3A_12 : i32 to vector<16x1xi32>
      %add3A_106 = arith.addi %broadcast_in_dim3A_97, %add3A_105 : vector<16x1xi32>
      %get3A_107 = arith.constant 0 : index
      %get3A_108 = arith.constant 0 : index
      %get3A_109 = vector.load %arg5[%get3A_107, %get3A_108] : memref<16x8xf32, #tpu.memory_space<vmem>>, vector<16x8xf32>
      %get3A_110 = arith.constant 0 : index
      %get3A_111 = arith.constant 0 : index
      %get3A_112 = vector.load %arg6[%get3A_110, %get3A_111] : memref<16x8xi32, #tpu.memory_space<vmem>>, vector<16x8xi32>
      %lt3A_113 = vector.broadcast %broadcast_in_dim3A_89 : vector<16x1xf32> to vector<16x8xf32>
      %lt3A_114 = arith.cmpf olt, %lt3A_113, %get3A_109 : vector<16x8xf32>
      %broadcast_in_dim3A_115 = arith.constant 0xFF800000 : f32
      %broadcast_in_dim3A_116 = vector.broadcast %broadcast_in_dim3A_115 : f32 to vector<16x1xf32>
      %slice3A = vector.extract_strided_slice %get3A_109 {offsets = [0, 0], sizes = [16, 7], strides = [1, 1]} : vector<16x8xf32> to vector<16x7xf32>
      %concatenate3A = tpu.concatenate %broadcast_in_dim3A_116, %slice3A in 1 : vector<16x1xf32>, vector<16x7xf32> -> vector<16x8xf32>
      %lt3A_117 = vector.broadcast %broadcast_in_dim3A_89 : vector<16x1xf32> to vector<16x8xf32>
      %lt3A_118 = arith.cmpf olt, %lt3A_117, %concatenate3A : vector<16x8xf32>
      %slice3A_119 = vector.extract_strided_slice %get3A_112 {offsets = [0, 0], sizes = [16, 1], strides = [1, 1]} : vector<16x8xi32> to vector<16x1xi32>
      %slice3A_120 = vector.extract_strided_slice %get3A_112 {offsets = [0, 0], sizes = [16, 7], strides = [1, 1]} : vector<16x8xi32> to vector<16x7xi32>
      %concatenate3A_121 = tpu.concatenate %slice3A_119, %slice3A_120 in 1 : vector<16x1xi32>, vector<16x7xi32> -> vector<16x8xi32>
      %broadcast_in_dim3A_122 = vector.shape_cast %broadcast_in_dim3A_89 : vector<16x1xf32> to vector<16x1xf32>
      %broadcast_in_dim3A_123 = vector.broadcast %broadcast_in_dim3A_122 : vector<16x1xf32> to vector<16x8xf32>
      %broadcast_in_dim3A_124 = vector.shape_cast %add3A_106 : vector<16x1xi32> to vector<16x1xi32>
      %broadcast_in_dim3A_125 = vector.broadcast %broadcast_in_dim3A_124 : vector<16x1xi32> to vector<16x8xi32>
      %select_n3A_126 = arith.select %lt3A_118, %concatenate3A, %broadcast_in_dim3A_123 : vector<16x8xi1>, vector<16x8xf32>
      %select_n3A_127 = arith.select %lt3A_114, %select_n3A_126, %get3A_109 : vector<16x8xi1>, vector<16x8xf32>
      %swap3A_128 = arith.constant 0 : index
      %swap3A_129 = arith.constant 0 : index
      %swap3A_130 = vector.load %arg5[%swap3A_128, %swap3A_129] : memref<16x8xf32, #tpu.memory_space<vmem>>, vector<16x8xf32>
      tpu.vector_store %arg5[%swap3A_128, %swap3A_129], %select_n3A_127 {strides = array<i32>} : memref<16x8xf32, #tpu.memory_space<vmem>>, vector<16x8xf32>,
      %select_n3A_131 = arith.select %lt3A_118, %concatenate3A_121, %broadcast_in_dim3A_125 : vector<16x8xi1>, vector<16x8xi32>
      %select_n3A_132 = arith.select %lt3A_114, %select_n3A_131, %get3A_112 : vector<16x8xi1>, vector<16x8xi32>
      %swap3A_133 = arith.constant 0 : index
      %swap3A_134 = arith.constant 0 : index
      %swap3A_135 = vector.load %arg6[%swap3A_133, %swap3A_134] : memref<16x8xi32, #tpu.memory_space<vmem>>, vector<16x8xi32>
      tpu.vector_store %arg6[%swap3A_133, %swap3A_134], %select_n3A_132 {strides = array<i32>} : memref<16x8xi32, #tpu.memory_space<vmem>>, vector<16x8xi32>,
    } else {
    }
    %gt3A_50 = arith.constant 2.000000e+00 : f32
    %gt3A_51 = arith.cmpf ogt, %reduce_max3A_35, %gt3A_50 : f32
    %convert_element_type3A_52 = arith.extui %gt3A_51 : i1 to i32
    %cond3A_53 = arith.constant 0 : i32
    %cond3A_54 = arith.cmpi ne, %convert_element_type3A_52, %cond3A_53 : i32
    scf.if %cond3A_54 {
      %get3A_85 = arith.constant 0 : index
      %get3A_86 = arith.constant 0 : index
      %get3A_87 = vector.load %arg8[%get3A_85, %get3A_86] : memref<16x8192xf32, #tpu.memory_space<vmem>>, vector<16x8192xf32>
      %reduce_min3A = arith.constant dense<0x7F800000> : vector<16xf32>
      %reduce_min3A_88 = vector.multi_reduction <minimumf>, %get3A_87, %reduce_min3A [1] : vector<16x8192xf32> to vector<16xf32>
      %broadcast_in_dim3A_89 = vector.shape_cast %reduce_min3A_88 : vector<16xf32> to vector<16x1xf32>
      %eq3A_90 = vector.broadcast %broadcast_in_dim3A_89 : vector<16x1xf32> to vector<16x8192xf32>
      %eq3A_91 = arith.cmpf oeq, %get3A_87, %eq3A_90 : vector<16x8192xf32>
      %jit3A_92 = arith.constant 2147483647 : i32
      %broadcast_in_dim3A_93 = vector.broadcast %jit3A_92 : i32 to vector<16x8192xi32>
      %select_n3A_94 = arith.select %eq3A_91, %iota3A, %broadcast_in_dim3A_93 : vector<16x8192xi1>, vector<16x8192xi32>
      %reduce_min3A_95 = arith.constant dense<2147483647> : vector<16xi32>
      %reduce_min3A_96 = vector.multi_reduction <minsi>, %select_n3A_94, %reduce_min3A_95 [1] : vector<16x8192xi32> to vector<16xi32>
      %broadcast_in_dim3A_97 = vector.shape_cast %reduce_min3A_96 : vector<16xi32> to vector<16x1xi32>
      %eq3A_98 = vector.broadcast %broadcast_in_dim3A_97 : vector<16x1xi32> to vector<16x8192xi32>
      %eq3A_99 = arith.cmpi eq, %iota3A, %eq3A_98 : vector<16x8192xi32>
      %jit3A_100 = arith.constant 0x7F800000 : f32
      %broadcast_in_dim3A_101 = vector.broadcast %jit3A_100 : f32 to vector<16x8192xf32>
      %select_n3A_102 = arith.select %eq3A_99, %broadcast_in_dim3A_101, %get3A_87 : vector<16x8192xi1>, vector<16x8192xf32>
      %swap3A = arith.constant 0 : index
      %swap3A_103 = arith.constant 0 : index
      %swap3A_104 = vector.load %arg8[%swap3A, %swap3A_103] : memref<16x8192xf32, #tpu.memory_space<vmem>>, vector<16x8192xf32>
      tpu.vector_store %arg8[%swap3A, %swap3A_103], %select_n3A_102 {strides = array<i32>} : memref<16x8192xf32, #tpu.memory_space<vmem>>, vector<16x8192xf32>,
      %add3A_105 = vector.broadcast %mul3A_12 : i32 to vector<16x1xi32>
      %add3A_106 = arith.addi %broadcast_in_dim3A_97, %add3A_105 : vector<16x1xi32>
      %get3A_107 = arith.constant 0 : index
      %get3A_108 = arith.constant 0 : index
      %get3A_109 = vector.load %arg5[%get3A_107, %get3A_108] : memref<16x8xf32, #tpu.memory_space<vmem>>, vector<16x8xf32>
      %get3A_110 = arith.constant 0 : index
      %get3A_111 = arith.constant 0 : index
      %get3A_112 = vector.load %arg6[%get3A_110, %get3A_111] : memref<16x8xi32, #tpu.memory_space<vmem>>, vector<16x8xi32>
      %lt3A_113 = vector.broadcast %broadcast_in_dim3A_89 : vector<16x1xf32> to vector<16x8xf32>
      %lt3A_114 = arith.cmpf olt, %lt3A_113, %get3A_109 : vector<16x8xf32>
      %broadcast_in_dim3A_115 = arith.constant 0xFF800000 : f32
      %broadcast_in_dim3A_116 = vector.broadcast %broadcast_in_dim3A_115 : f32 to vector<16x1xf32>
      %slice3A = vector.extract_strided_slice %get3A_109 {offsets = [0, 0], sizes = [16, 7], strides = [1, 1]} : vector<16x8xf32> to vector<16x7xf32>
      %concatenate3A = tpu.concatenate %broadcast_in_dim3A_116, %slice3A in 1 : vector<16x1xf32>, vector<16x7xf32> -> vector<16x8xf32>
      %lt3A_117 = vector.broadcast %broadcast_in_dim3A_89 : vector<16x1xf32> to vector<16x8xf32>
      %lt3A_118 = arith.cmpf olt, %lt3A_117, %concatenate3A : vector<16x8xf32>
      %slice3A_119 = vector.extract_strided_slice %get3A_112 {offsets = [0, 0], sizes = [16, 1], strides = [1, 1]} : vector<16x8xi32> to vector<16x1xi32>
      %slice3A_120 = vector.extract_strided_slice %get3A_112 {offsets = [0, 0], sizes = [16, 7], strides = [1, 1]} : vector<16x8xi32> to vector<16x7xi32>
      %concatenate3A_121 = tpu.concatenate %slice3A_119, %slice3A_120 in 1 : vector<16x1xi32>, vector<16x7xi32> -> vector<16x8xi32>
      %broadcast_in_dim3A_122 = vector.shape_cast %broadcast_in_dim3A_89 : vector<16x1xf32> to vector<16x1xf32>
      %broadcast_in_dim3A_123 = vector.broadcast %broadcast_in_dim3A_122 : vector<16x1xf32> to vector<16x8xf32>
      %broadcast_in_dim3A_124 = vector.shape_cast %add3A_106 : vector<16x1xi32> to vector<16x1xi32>
      %broadcast_in_dim3A_125 = vector.broadcast %broadcast_in_dim3A_124 : vector<16x1xi32> to vector<16x8xi32>
      %select_n3A_126 = arith.select %lt3A_118, %concatenate3A, %broadcast_in_dim3A_123 : vector<16x8xi1>, vector<16x8xf32>
      %select_n3A_127 = arith.select %lt3A_114, %select_n3A_126, %get3A_109 : vector<16x8xi1>, vector<16x8xf32>
      %swap3A_128 = arith.constant 0 : index
      %swap3A_129 = arith.constant 0 : index
      %swap3A_130 = vector.load %arg5[%swap3A_128, %swap3A_129] : memref<16x8xf32, #tpu.memory_space<vmem>>, vector<16x8xf32>
      tpu.vector_store %arg5[%swap3A_128, %swap3A_129], %select_n3A_127 {strides = array<i32>} : memref<16x8xf32, #tpu.memory_space<vmem>>, vector<16x8xf32>,
      %select_n3A_131 = arith.select %lt3A_118, %concatenate3A_121, %broadcast_in_dim3A_125 : vector<16x8xi1>, vector<16x8xi32>
      %select_n3A_132 = arith.select %lt3A_114, %select_n3A_131, %get3A_112 : vector<16x8xi1>, vector<16x8xi32>
      %swap3A_133 = arith.constant 0 : index
      %swap3A_134 = arith.constant 0 : index
      %swap3A_135 = vector.load %arg6[%swap3A_133, %swap3A_134] : memref<16x8xi32, #tpu.memory_space<vmem>>, vector<16x8xi32>
      tpu.vector_store %arg6[%swap3A_133, %swap3A_134], %select_n3A_132 {strides = array<i32>} : memref<16x8xi32, #tpu.memory_space<vmem>>, vector<16x8xi32>,
    } else {
    }
    %gt3A_55 = arith.constant 3.000000e+00 : f32
    %gt3A_56 = arith.cmpf ogt, %reduce_max3A_35, %gt3A_55 : f32
    %convert_element_type3A_57 = arith.extui %gt3A_56 : i1 to i32
    %cond3A_58 = arith.constant 0 : i32
    %cond3A_59 = arith.cmpi ne, %convert_element_type3A_57, %cond3A_58 : i32
    scf.if %cond3A_59 {
      %get3A_85 = arith.constant 0 : index
      %get3A_86 = arith.constant 0 : index
      %get3A_87 = vector.load %arg8[%get3A_85, %get3A_86] : memref<16x8192xf32, #tpu.memory_space<vmem>>, vector<16x8192xf32>
      %reduce_min3A = arith.constant dense<0x7F800000> : vector<16xf32>
      %reduce_min3A_88 = vector.multi_reduction <minimumf>, %get3A_87, %reduce_min3A [1] : vector<16x8192xf32> to vector<16xf32>
      %broadcast_in_dim3A_89 = vector.shape_cast %reduce_min3A_88 : vector<16xf32> to vector<16x1xf32>
      %eq3A_90 = vector.broadcast %broadcast_in_dim3A_89 : vector<16x1xf32> to vector<16x8192xf32>
      %eq3A_91 = arith.cmpf oeq, %get3A_87, %eq3A_90 : vector<16x8192xf32>
      %jit3A_92 = arith.constant 2147483647 : i32
      %broadcast_in_dim3A_93 = vector.broadcast %jit3A_92 : i32 to vector<16x8192xi32>
      %select_n3A_94 = arith.select %eq3A_91, %iota3A, %broadcast_in_dim3A_93 : vector<16x8192xi1>, vector<16x8192xi32>
      %reduce_min3A_95 = arith.constant dense<2147483647> : vector<16xi32>
      %reduce_min3A_96 = vector.multi_reduction <minsi>, %select_n3A_94, %reduce_min3A_95 [1] : vector<16x8192xi32> to vector<16xi32>
      %broadcast_in_dim3A_97 = vector.shape_cast %reduce_min3A_96 : vector<16xi32> to vector<16x1xi32>
      %eq3A_98 = vector.broadcast %broadcast_in_dim3A_97 : vector<16x1xi32> to vector<16x8192xi32>
      %eq3A_99 = arith.cmpi eq, %iota3A, %eq3A_98 : vector<16x8192xi32>
      %jit3A_100 = arith.constant 0x7F800000 : f32
      %broadcast_in_dim3A_101 = vector.broadcast %jit3A_100 : f32 to vector<16x8192xf32>
      %select_n3A_102 = arith.select %eq3A_99, %broadcast_in_dim3A_101, %get3A_87 : vector<16x8192xi1>, vector<16x8192xf32>
      %swap3A = arith.constant 0 : index
      %swap3A_103 = arith.constant 0 : index
      %swap3A_104 = vector.load %arg8[%swap3A, %swap3A_103] : memref<16x8192xf32, #tpu.memory_space<vmem>>, vector<16x8192xf32>
      tpu.vector_store %arg8[%swap3A, %swap3A_103], %select_n3A_102 {strides = array<i32>} : memref<16x8192xf32, #tpu.memory_space<vmem>>, vector<16x8192xf32>,
      %add3A_105 = vector.broadcast %mul3A_12 : i32 to vector<16x1xi32>
      %add3A_106 = arith.addi %broadcast_in_dim3A_97, %add3A_105 : vector<16x1xi32>
      %get3A_107 = arith.constant 0 : index
      %get3A_108 = arith.constant 0 : index
      %get3A_109 = vector.load %arg5[%get3A_107, %get3A_108] : memref<16x8xf32, #tpu.memory_space<vmem>>, vector<16x8xf32>
      %get3A_110 = arith.constant 0 : index
      %get3A_111 = arith.constant 0 : index
      %get3A_112 = vector.load %arg6[%get3A_110, %get3A_111] : memref<16x8xi32, #tpu.memory_space<vmem>>, vector<16x8xi32>
      %lt3A_113 = vector.broadcast %broadcast_in_dim3A_89 : vector<16x1xf32> to vector<16x8xf32>
      %lt3A_114 = arith.cmpf olt, %lt3A_113, %get3A_109 : vector<16x8xf32>
      %broadcast_in_dim3A_115 = arith.constant 0xFF800000 : f32
      %broadcast_in_dim3A_116 = vector.broadcast %broadcast_in_dim3A_115 : f32 to vector<16x1xf32>
      %slice3A = vector.extract_strided_slice %get3A_109 {offsets = [0, 0], sizes = [16, 7], strides = [1, 1]} : vector<16x8xf32> to vector<16x7xf32>
      %concatenate3A = tpu.concatenate %broadcast_in_dim3A_116, %slice3A in 1 : vector<16x1xf32>, vector<16x7xf32> -> vector<16x8xf32>
      %lt3A_117 = vector.broadcast %broadcast_in_dim3A_89 : vector<16x1xf32> to vector<16x8xf32>
      %lt3A_118 = arith.cmpf olt, %lt3A_117, %concatenate3A : vector<16x8xf32>
      %slice3A_119 = vector.extract_strided_slice %get3A_112 {offsets = [0, 0], sizes = [16, 1], strides = [1, 1]} : vector<16x8xi32> to vector<16x1xi32>
      %slice3A_120 = vector.extract_strided_slice %get3A_112 {offsets = [0, 0], sizes = [16, 7], strides = [1, 1]} : vector<16x8xi32> to vector<16x7xi32>
      %concatenate3A_121 = tpu.concatenate %slice3A_119, %slice3A_120 in 1 : vector<16x1xi32>, vector<16x7xi32> -> vector<16x8xi32>
      %broadcast_in_dim3A_122 = vector.shape_cast %broadcast_in_dim3A_89 : vector<16x1xf32> to vector<16x1xf32>
      %broadcast_in_dim3A_123 = vector.broadcast %broadcast_in_dim3A_122 : vector<16x1xf32> to vector<16x8xf32>
      %broadcast_in_dim3A_124 = vector.shape_cast %add3A_106 : vector<16x1xi32> to vector<16x1xi32>
      %broadcast_in_dim3A_125 = vector.broadcast %broadcast_in_dim3A_124 : vector<16x1xi32> to vector<16x8xi32>
      %select_n3A_126 = arith.select %lt3A_118, %concatenate3A, %broadcast_in_dim3A_123 : vector<16x8xi1>, vector<16x8xf32>
      %select_n3A_127 = arith.select %lt3A_114, %select_n3A_126, %get3A_109 : vector<16x8xi1>, vector<16x8xf32>
      %swap3A_128 = arith.constant 0 : index
      %swap3A_129 = arith.constant 0 : index
      %swap3A_130 = vector.load %arg5[%swap3A_128, %swap3A_129] : memref<16x8xf32, #tpu.memory_space<vmem>>, vector<16x8xf32>
      tpu.vector_store %arg5[%swap3A_128, %swap3A_129], %select_n3A_127 {strides = array<i32>} : memref<16x8xf32, #tpu.memory_space<vmem>>, vector<16x8xf32>,
      %select_n3A_131 = arith.select %lt3A_118, %concatenate3A_121, %broadcast_in_dim3A_125 : vector<16x8xi1>, vector<16x8xi32>
      %select_n3A_132 = arith.select %lt3A_114, %select_n3A_131, %get3A_112 : vector<16x8xi1>, vector<16x8xi32>
      %swap3A_133 = arith.constant 0 : index
      %swap3A_134 = arith.constant 0 : index
      %swap3A_135 = vector.load %arg6[%swap3A_133, %swap3A_134] : memref<16x8xi32, #tpu.memory_space<vmem>>, vector<16x8xi32>
      tpu.vector_store %arg6[%swap3A_133, %swap3A_134], %select_n3A_132 {strides = array<i32>} : memref<16x8xi32, #tpu.memory_space<vmem>>, vector<16x8xi32>,
    } else {
    }
    %gt3A_60 = arith.constant 4.000000e+00 : f32
    %gt3A_61 = arith.cmpf ogt, %reduce_max3A_35, %gt3A_60 : f32
    %convert_element_type3A_62 = arith.extui %gt3A_61 : i1 to i32
    %cond3A_63 = arith.constant 0 : i32
    %cond3A_64 = arith.cmpi ne, %convert_element_type3A_62, %cond3A_63 : i32
    scf.if %cond3A_64 {
      %get3A_85 = arith.constant 0 : index
      %get3A_86 = arith.constant 0 : index
      %get3A_87 = vector.load %arg8[%get3A_85, %get3A_86] : memref<16x8192xf32, #tpu.memory_space<vmem>>, vector<16x8192xf32>
      %reduce_min3A = arith.constant dense<0x7F800000> : vector<16xf32>
      %reduce_min3A_88 = vector.multi_reduction <minimumf>, %get3A_87, %reduce_min3A [1] : vector<16x8192xf32> to vector<16xf32>
      %broadcast_in_dim3A_89 = vector.shape_cast %reduce_min3A_88 : vector<16xf32> to vector<16x1xf32>
      %eq3A_90 = vector.broadcast %broadcast_in_dim3A_89 : vector<16x1xf32> to vector<16x8192xf32>
      %eq3A_91 = arith.cmpf oeq, %get3A_87, %eq3A_90 : vector<16x8192xf32>
      %jit3A_92 = arith.constant 2147483647 : i32
      %broadcast_in_dim3A_93 = vector.broadcast %jit3A_92 : i32 to vector<16x8192xi32>
      %select_n3A_94 = arith.select %eq3A_91, %iota3A, %broadcast_in_dim3A_93 : vector<16x8192xi1>, vector<16x8192xi32>
      %reduce_min3A_95 = arith.constant dense<2147483647> : vector<16xi32>
      %reduce_min3A_96 = vector.multi_reduction <minsi>, %select_n3A_94, %reduce_min3A_95 [1] : vector<16x8192xi32> to vector<16xi32>
      %broadcast_in_dim3A_97 = vector.shape_cast %reduce_min3A_96 : vector<16xi32> to vector<16x1xi32>
      %eq3A_98 = vector.broadcast %broadcast_in_dim3A_97 : vector<16x1xi32> to vector<16x8192xi32>
      %eq3A_99 = arith.cmpi eq, %iota3A, %eq3A_98 : vector<16x8192xi32>
      %jit3A_100 = arith.constant 0x7F800000 : f32
      %broadcast_in_dim3A_101 = vector.broadcast %jit3A_100 : f32 to vector<16x8192xf32>
      %select_n3A_102 = arith.select %eq3A_99, %broadcast_in_dim3A_101, %get3A_87 : vector<16x8192xi1>, vector<16x8192xf32>
      %swap3A = arith.constant 0 : index
      %swap3A_103 = arith.constant 0 : index
      %swap3A_104 = vector.load %arg8[%swap3A, %swap3A_103] : memref<16x8192xf32, #tpu.memory_space<vmem>>, vector<16x8192xf32>
      tpu.vector_store %arg8[%swap3A, %swap3A_103], %select_n3A_102 {strides = array<i32>} : memref<16x8192xf32, #tpu.memory_space<vmem>>, vector<16x8192xf32>,
      %add3A_105 = vector.broadcast %mul3A_12 : i32 to vector<16x1xi32>
      %add3A_106 = arith.addi %broadcast_in_dim3A_97, %add3A_105 : vector<16x1xi32>
      %get3A_107 = arith.constant 0 : index
      %get3A_108 = arith.constant 0 : index
      %get3A_109 = vector.load %arg5[%get3A_107, %get3A_108] : memref<16x8xf32, #tpu.memory_space<vmem>>, vector<16x8xf32>
      %get3A_110 = arith.constant 0 : index
      %get3A_111 = arith.constant 0 : index
      %get3A_112 = vector.load %arg6[%get3A_110, %get3A_111] : memref<16x8xi32, #tpu.memory_space<vmem>>, vector<16x8xi32>
      %lt3A_113 = vector.broadcast %broadcast_in_dim3A_89 : vector<16x1xf32> to vector<16x8xf32>
      %lt3A_114 = arith.cmpf olt, %lt3A_113, %get3A_109 : vector<16x8xf32>
      %broadcast_in_dim3A_115 = arith.constant 0xFF800000 : f32
      %broadcast_in_dim3A_116 = vector.broadcast %broadcast_in_dim3A_115 : f32 to vector<16x1xf32>
      %slice3A = vector.extract_strided_slice %get3A_109 {offsets = [0, 0], sizes = [16, 7], strides = [1, 1]} : vector<16x8xf32> to vector<16x7xf32>
      %concatenate3A = tpu.concatenate %broadcast_in_dim3A_116, %slice3A in 1 : vector<16x1xf32>, vector<16x7xf32> -> vector<16x8xf32>
      %lt3A_117 = vector.broadcast %broadcast_in_dim3A_89 : vector<16x1xf32> to vector<16x8xf32>
      %lt3A_118 = arith.cmpf olt, %lt3A_117, %concatenate3A : vector<16x8xf32>
      %slice3A_119 = vector.extract_strided_slice %get3A_112 {offsets = [0, 0], sizes = [16, 1], strides = [1, 1]} : vector<16x8xi32> to vector<16x1xi32>
      %slice3A_120 = vector.extract_strided_slice %get3A_112 {offsets = [0, 0], sizes = [16, 7], strides = [1, 1]} : vector<16x8xi32> to vector<16x7xi32>
      %concatenate3A_121 = tpu.concatenate %slice3A_119, %slice3A_120 in 1 : vector<16x1xi32>, vector<16x7xi32> -> vector<16x8xi32>
      %broadcast_in_dim3A_122 = vector.shape_cast %broadcast_in_dim3A_89 : vector<16x1xf32> to vector<16x1xf32>
      %broadcast_in_dim3A_123 = vector.broadcast %broadcast_in_dim3A_122 : vector<16x1xf32> to vector<16x8xf32>
      %broadcast_in_dim3A_124 = vector.shape_cast %add3A_106 : vector<16x1xi32> to vector<16x1xi32>
      %broadcast_in_dim3A_125 = vector.broadcast %broadcast_in_dim3A_124 : vector<16x1xi32> to vector<16x8xi32>
      %select_n3A_126 = arith.select %lt3A_118, %concatenate3A, %broadcast_in_dim3A_123 : vector<16x8xi1>, vector<16x8xf32>
      %select_n3A_127 = arith.select %lt3A_114, %select_n3A_126, %get3A_109 : vector<16x8xi1>, vector<16x8xf32>
      %swap3A_128 = arith.constant 0 : index
      %swap3A_129 = arith.constant 0 : index
      %swap3A_130 = vector.load %arg5[%swap3A_128, %swap3A_129] : memref<16x8xf32, #tpu.memory_space<vmem>>, vector<16x8xf32>
      tpu.vector_store %arg5[%swap3A_128, %swap3A_129], %select_n3A_127 {strides = array<i32>} : memref<16x8xf32, #tpu.memory_space<vmem>>, vector<16x8xf32>,
      %select_n3A_131 = arith.select %lt3A_118, %concatenate3A_121, %broadcast_in_dim3A_125 : vector<16x8xi1>, vector<16x8xi32>
      %select_n3A_132 = arith.select %lt3A_114, %select_n3A_131, %get3A_112 : vector<16x8xi1>, vector<16x8xi32>
      %swap3A_133 = arith.constant 0 : index
      %swap3A_134 = arith.constant 0 : index
      %swap3A_135 = vector.load %arg6[%swap3A_133, %swap3A_134] : memref<16x8xi32, #tpu.memory_space<vmem>>, vector<16x8xi32>
      tpu.vector_store %arg6[%swap3A_133, %swap3A_134], %select_n3A_132 {strides = array<i32>} : memref<16x8xi32, #tpu.memory_space<vmem>>, vector<16x8xi32>,
    } else {
    }
    %gt3A_65 = arith.constant 5.000000e+00 : f32
    %gt3A_66 = arith.cmpf ogt, %reduce_max3A_35, %gt3A_65 : f32
    %convert_element_type3A_67 = arith.extui %gt3A_66 : i1 to i32
    %cond3A_68 = arith.constant 0 : i32
    %cond3A_69 = arith.cmpi ne, %convert_element_type3A_67, %cond3A_68 : i32
    scf.if %cond3A_69 {
      %get3A_85 = arith.constant 0 : index
      %get3A_86 = arith.constant 0 : index
      %get3A_87 = vector.load %arg8[%get3A_85, %get3A_86] : memref<16x8192xf32, #tpu.memory_space<vmem>>, vector<16x8192xf32>
      %reduce_min3A = arith.constant dense<0x7F800000> : vector<16xf32>
      %reduce_min3A_88 = vector.multi_reduction <minimumf>, %get3A_87, %reduce_min3A [1] : vector<16x8192xf32> to vector<16xf32>
      %broadcast_in_dim3A_89 = vector.shape_cast %reduce_min3A_88 : vector<16xf32> to vector<16x1xf32>
      %eq3A_90 = vector.broadcast %broadcast_in_dim3A_89 : vector<16x1xf32> to vector<16x8192xf32>
      %eq3A_91 = arith.cmpf oeq, %get3A_87, %eq3A_90 : vector<16x8192xf32>
      %jit3A_92 = arith.constant 2147483647 : i32
      %broadcast_in_dim3A_93 = vector.broadcast %jit3A_92 : i32 to vector<16x8192xi32>
      %select_n3A_94 = arith.select %eq3A_91, %iota3A, %broadcast_in_dim3A_93 : vector<16x8192xi1>, vector<16x8192xi32>
      %reduce_min3A_95 = arith.constant dense<2147483647> : vector<16xi32>
      %reduce_min3A_96 = vector.multi_reduction <minsi>, %select_n3A_94, %reduce_min3A_95 [1] : vector<16x8192xi32> to vector<16xi32>
      %broadcast_in_dim3A_97 = vector.shape_cast %reduce_min3A_96 : vector<16xi32> to vector<16x1xi32>
      %eq3A_98 = vector.broadcast %broadcast_in_dim3A_97 : vector<16x1xi32> to vector<16x8192xi32>
      %eq3A_99 = arith.cmpi eq, %iota3A, %eq3A_98 : vector<16x8192xi32>
      %jit3A_100 = arith.constant 0x7F800000 : f32
      %broadcast_in_dim3A_101 = vector.broadcast %jit3A_100 : f32 to vector<16x8192xf32>
      %select_n3A_102 = arith.select %eq3A_99, %broadcast_in_dim3A_101, %get3A_87 : vector<16x8192xi1>, vector<16x8192xf32>
      %swap3A = arith.constant 0 : index
      %swap3A_103 = arith.constant 0 : index
      %swap3A_104 = vector.load %arg8[%swap3A, %swap3A_103] : memref<16x8192xf32, #tpu.memory_space<vmem>>, vector<16x8192xf32>
      tpu.vector_store %arg8[%swap3A, %swap3A_103], %select_n3A_102 {strides = array<i32>} : memref<16x8192xf32, #tpu.memory_space<vmem>>, vector<16x8192xf32>,
      %add3A_105 = vector.broadcast %mul3A_12 : i32 to vector<16x1xi32>
      %add3A_106 = arith.addi %broadcast_in_dim3A_97, %add3A_105 : vector<16x1xi32>
      %get3A_107 = arith.constant 0 : index
      %get3A_108 = arith.constant 0 : index
      %get3A_109 = vector.load %arg5[%get3A_107, %get3A_108] : memref<16x8xf32, #tpu.memory_space<vmem>>, vector<16x8xf32>
      %get3A_110 = arith.constant 0 : index
      %get3A_111 = arith.constant 0 : index
      %get3A_112 = vector.load %arg6[%get3A_110, %get3A_111] : memref<16x8xi32, #tpu.memory_space<vmem>>, vector<16x8xi32>
      %lt3A_113 = vector.broadcast %broadcast_in_dim3A_89 : vector<16x1xf32> to vector<16x8xf32>
      %lt3A_114 = arith.cmpf olt, %lt3A_113, %get3A_109 : vector<16x8xf32>
      %broadcast_in_dim3A_115 = arith.constant 0xFF800000 : f32
      %broadcast_in_dim3A_116 = vector.broadcast %broadcast_in_dim3A_115 : f32 to vector<16x1xf32>
      %slice3A = vector.extract_strided_slice %get3A_109 {offsets = [0, 0], sizes = [16, 7], strides = [1, 1]} : vector<16x8xf32> to vector<16x7xf32>
      %concatenate3A = tpu.concatenate %broadcast_in_dim3A_116, %slice3A in 1 : vector<16x1xf32>, vector<16x7xf32> -> vector<16x8xf32>
      %lt3A_117 = vector.broadcast %broadcast_in_dim3A_89 : vector<16x1xf32> to vector<16x8xf32>
      %lt3A_118 = arith.cmpf olt, %lt3A_117, %concatenate3A : vector<16x8xf32>
      %slice3A_119 = vector.extract_strided_slice %get3A_112 {offsets = [0, 0], sizes = [16, 1], strides = [1, 1]} : vector<16x8xi32> to vector<16x1xi32>
      %slice3A_120 = vector.extract_strided_slice %get3A_112 {offsets = [0, 0], sizes = [16, 7], strides = [1, 1]} : vector<16x8xi32> to vector<16x7xi32>
      %concatenate3A_121 = tpu.concatenate %slice3A_119, %slice3A_120 in 1 : vector<16x1xi32>, vector<16x7xi32> -> vector<16x8xi32>
      %broadcast_in_dim3A_122 = vector.shape_cast %broadcast_in_dim3A_89 : vector<16x1xf32> to vector<16x1xf32>
      %broadcast_in_dim3A_123 = vector.broadcast %broadcast_in_dim3A_122 : vector<16x1xf32> to vector<16x8xf32>
      %broadcast_in_dim3A_124 = vector.shape_cast %add3A_106 : vector<16x1xi32> to vector<16x1xi32>
      %broadcast_in_dim3A_125 = vector.broadcast %broadcast_in_dim3A_124 : vector<16x1xi32> to vector<16x8xi32>
      %select_n3A_126 = arith.select %lt3A_118, %concatenate3A, %broadcast_in_dim3A_123 : vector<16x8xi1>, vector<16x8xf32>
      %select_n3A_127 = arith.select %lt3A_114, %select_n3A_126, %get3A_109 : vector<16x8xi1>, vector<16x8xf32>
      %swap3A_128 = arith.constant 0 : index
      %swap3A_129 = arith.constant 0 : index
      %swap3A_130 = vector.load %arg5[%swap3A_128, %swap3A_129] : memref<16x8xf32, #tpu.memory_space<vmem>>, vector<16x8xf32>
      tpu.vector_store %arg5[%swap3A_128, %swap3A_129], %select_n3A_127 {strides = array<i32>} : memref<16x8xf32, #tpu.memory_space<vmem>>, vector<16x8xf32>,
      %select_n3A_131 = arith.select %lt3A_118, %concatenate3A_121, %broadcast_in_dim3A_125 : vector<16x8xi1>, vector<16x8xi32>
      %select_n3A_132 = arith.select %lt3A_114, %select_n3A_131, %get3A_112 : vector<16x8xi1>, vector<16x8xi32>
      %swap3A_133 = arith.constant 0 : index
      %swap3A_134 = arith.constant 0 : index
      %swap3A_135 = vector.load %arg6[%swap3A_133, %swap3A_134] : memref<16x8xi32, #tpu.memory_space<vmem>>, vector<16x8xi32>
      tpu.vector_store %arg6[%swap3A_133, %swap3A_134], %select_n3A_132 {strides = array<i32>} : memref<16x8xi32, #tpu.memory_space<vmem>>, vector<16x8xi32>,
    } else {
    }
    %gt3A_70 = arith.constant 6.000000e+00 : f32
    %gt3A_71 = arith.cmpf ogt, %reduce_max3A_35, %gt3A_70 : f32
    %convert_element_type3A_72 = arith.extui %gt3A_71 : i1 to i32
    %cond3A_73 = arith.constant 0 : i32
    %cond3A_74 = arith.cmpi ne, %convert_element_type3A_72, %cond3A_73 : i32
    scf.if %cond3A_74 {
      %get3A_85 = arith.constant 0 : index
      %get3A_86 = arith.constant 0 : index
      %get3A_87 = vector.load %arg8[%get3A_85, %get3A_86] : memref<16x8192xf32, #tpu.memory_space<vmem>>, vector<16x8192xf32>
      %reduce_min3A = arith.constant dense<0x7F800000> : vector<16xf32>
      %reduce_min3A_88 = vector.multi_reduction <minimumf>, %get3A_87, %reduce_min3A [1] : vector<16x8192xf32> to vector<16xf32>
      %broadcast_in_dim3A_89 = vector.shape_cast %reduce_min3A_88 : vector<16xf32> to vector<16x1xf32>
      %eq3A_90 = vector.broadcast %broadcast_in_dim3A_89 : vector<16x1xf32> to vector<16x8192xf32>
      %eq3A_91 = arith.cmpf oeq, %get3A_87, %eq3A_90 : vector<16x8192xf32>
      %jit3A_92 = arith.constant 2147483647 : i32
      %broadcast_in_dim3A_93 = vector.broadcast %jit3A_92 : i32 to vector<16x8192xi32>
      %select_n3A_94 = arith.select %eq3A_91, %iota3A, %broadcast_in_dim3A_93 : vector<16x8192xi1>, vector<16x8192xi32>
      %reduce_min3A_95 = arith.constant dense<2147483647> : vector<16xi32>
      %reduce_min3A_96 = vector.multi_reduction <minsi>, %select_n3A_94, %reduce_min3A_95 [1] : vector<16x8192xi32> to vector<16xi32>
      %broadcast_in_dim3A_97 = vector.shape_cast %reduce_min3A_96 : vector<16xi32> to vector<16x1xi32>
      %eq3A_98 = vector.broadcast %broadcast_in_dim3A_97 : vector<16x1xi32> to vector<16x8192xi32>
      %eq3A_99 = arith.cmpi eq, %iota3A, %eq3A_98 : vector<16x8192xi32>
      %jit3A_100 = arith.constant 0x7F800000 : f32
      %broadcast_in_dim3A_101 = vector.broadcast %jit3A_100 : f32 to vector<16x8192xf32>
      %select_n3A_102 = arith.select %eq3A_99, %broadcast_in_dim3A_101, %get3A_87 : vector<16x8192xi1>, vector<16x8192xf32>
      %swap3A = arith.constant 0 : index
      %swap3A_103 = arith.constant 0 : index
      %swap3A_104 = vector.load %arg8[%swap3A, %swap3A_103] : memref<16x8192xf32, #tpu.memory_space<vmem>>, vector<16x8192xf32>
      tpu.vector_store %arg8[%swap3A, %swap3A_103], %select_n3A_102 {strides = array<i32>} : memref<16x8192xf32, #tpu.memory_space<vmem>>, vector<16x8192xf32>,
      %add3A_105 = vector.broadcast %mul3A_12 : i32 to vector<16x1xi32>
      %add3A_106 = arith.addi %broadcast_in_dim3A_97, %add3A_105 : vector<16x1xi32>
      %get3A_107 = arith.constant 0 : index
      %get3A_108 = arith.constant 0 : index
      %get3A_109 = vector.load %arg5[%get3A_107, %get3A_108] : memref<16x8xf32, #tpu.memory_space<vmem>>, vector<16x8xf32>
      %get3A_110 = arith.constant 0 : index
      %get3A_111 = arith.constant 0 : index
      %get3A_112 = vector.load %arg6[%get3A_110, %get3A_111] : memref<16x8xi32, #tpu.memory_space<vmem>>, vector<16x8xi32>
      %lt3A_113 = vector.broadcast %broadcast_in_dim3A_89 : vector<16x1xf32> to vector<16x8xf32>
      %lt3A_114 = arith.cmpf olt, %lt3A_113, %get3A_109 : vector<16x8xf32>
      %broadcast_in_dim3A_115 = arith.constant 0xFF800000 : f32
      %broadcast_in_dim3A_116 = vector.broadcast %broadcast_in_dim3A_115 : f32 to vector<16x1xf32>
      %slice3A = vector.extract_strided_slice %get3A_109 {offsets = [0, 0], sizes = [16, 7], strides = [1, 1]} : vector<16x8xf32> to vector<16x7xf32>
      %concatenate3A = tpu.concatenate %broadcast_in_dim3A_116, %slice3A in 1 : vector<16x1xf32>, vector<16x7xf32> -> vector<16x8xf32>
      %lt3A_117 = vector.broadcast %broadcast_in_dim3A_89 : vector<16x1xf32> to vector<16x8xf32>
      %lt3A_118 = arith.cmpf olt, %lt3A_117, %concatenate3A : vector<16x8xf32>
      %slice3A_119 = vector.extract_strided_slice %get3A_112 {offsets = [0, 0], sizes = [16, 1], strides = [1, 1]} : vector<16x8xi32> to vector<16x1xi32>
      %slice3A_120 = vector.extract_strided_slice %get3A_112 {offsets = [0, 0], sizes = [16, 7], strides = [1, 1]} : vector<16x8xi32> to vector<16x7xi32>
      %concatenate3A_121 = tpu.concatenate %slice3A_119, %slice3A_120 in 1 : vector<16x1xi32>, vector<16x7xi32> -> vector<16x8xi32>
      %broadcast_in_dim3A_122 = vector.shape_cast %broadcast_in_dim3A_89 : vector<16x1xf32> to vector<16x1xf32>
      %broadcast_in_dim3A_123 = vector.broadcast %broadcast_in_dim3A_122 : vector<16x1xf32> to vector<16x8xf32>
      %broadcast_in_dim3A_124 = vector.shape_cast %add3A_106 : vector<16x1xi32> to vector<16x1xi32>
      %broadcast_in_dim3A_125 = vector.broadcast %broadcast_in_dim3A_124 : vector<16x1xi32> to vector<16x8xi32>
      %select_n3A_126 = arith.select %lt3A_118, %concatenate3A, %broadcast_in_dim3A_123 : vector<16x8xi1>, vector<16x8xf32>
      %select_n3A_127 = arith.select %lt3A_114, %select_n3A_126, %get3A_109 : vector<16x8xi1>, vector<16x8xf32>
      %swap3A_128 = arith.constant 0 : index
      %swap3A_129 = arith.constant 0 : index
      %swap3A_130 = vector.load %arg5[%swap3A_128, %swap3A_129] : memref<16x8xf32, #tpu.memory_space<vmem>>, vector<16x8xf32>
      tpu.vector_store %arg5[%swap3A_128, %swap3A_129], %select_n3A_127 {strides = array<i32>} : memref<16x8xf32, #tpu.memory_space<vmem>>, vector<16x8xf32>,
      %select_n3A_131 = arith.select %lt3A_118, %concatenate3A_121, %broadcast_in_dim3A_125 : vector<16x8xi1>, vector<16x8xi32>
      %select_n3A_132 = arith.select %lt3A_114, %select_n3A_131, %get3A_112 : vector<16x8xi1>, vector<16x8xi32>
      %swap3A_133 = arith.constant 0 : index
      %swap3A_134 = arith.constant 0 : index
      %swap3A_135 = vector.load %arg6[%swap3A_133, %swap3A_134] : memref<16x8xi32, #tpu.memory_space<vmem>>, vector<16x8xi32>
      tpu.vector_store %arg6[%swap3A_133, %swap3A_134], %select_n3A_132 {strides = array<i32>} : memref<16x8xi32, #tpu.memory_space<vmem>>, vector<16x8xi32>,
    } else {
    }
    %gt3A_75 = arith.constant 7.000000e+00 : f32
    %gt3A_76 = arith.cmpf ogt, %reduce_max3A_35, %gt3A_75 : f32
    %convert_element_type3A_77 = arith.extui %gt3A_76 : i1 to i32
    %cond3A_78 = arith.constant 0 : i32
    %cond3A_79 = arith.cmpi ne, %convert_element_type3A_77, %cond3A_78 : i32
    scf.if %cond3A_79 {
      %get3A_85 = arith.constant 0 : index
      %get3A_86 = arith.constant 0 : index
      %get3A_87 = vector.load %arg8[%get3A_85, %get3A_86] : memref<16x8192xf32, #tpu.memory_space<vmem>>, vector<16x8192xf32>
      %reduce_min3A = arith.constant dense<0x7F800000> : vector<16xf32>
      %reduce_min3A_88 = vector.multi_reduction <minimumf>, %get3A_87, %reduce_min3A [1] : vector<16x8192xf32> to vector<16xf32>
      %broadcast_in_dim3A_89 = vector.shape_cast %reduce_min3A_88 : vector<16xf32> to vector<16x1xf32>
      %eq3A_90 = vector.broadcast %broadcast_in_dim3A_89 : vector<16x1xf32> to vector<16x8192xf32>
      %eq3A_91 = arith.cmpf oeq, %get3A_87, %eq3A_90 : vector<16x8192xf32>
      %jit3A_92 = arith.constant 2147483647 : i32
      %broadcast_in_dim3A_93 = vector.broadcast %jit3A_92 : i32 to vector<16x8192xi32>
      %select_n3A_94 = arith.select %eq3A_91, %iota3A, %broadcast_in_dim3A_93 : vector<16x8192xi1>, vector<16x8192xi32>
      %reduce_min3A_95 = arith.constant dense<2147483647> : vector<16xi32>
      %reduce_min3A_96 = vector.multi_reduction <minsi>, %select_n3A_94, %reduce_min3A_95 [1] : vector<16x8192xi32> to vector<16xi32>
      %broadcast_in_dim3A_97 = vector.shape_cast %reduce_min3A_96 : vector<16xi32> to vector<16x1xi32>
      %eq3A_98 = vector.broadcast %broadcast_in_dim3A_97 : vector<16x1xi32> to vector<16x8192xi32>
      %eq3A_99 = arith.cmpi eq, %iota3A, %eq3A_98 : vector<16x8192xi32>
      %jit3A_100 = arith.constant 0x7F800000 : f32
      %broadcast_in_dim3A_101 = vector.broadcast %jit3A_100 : f32 to vector<16x8192xf32>
      %select_n3A_102 = arith.select %eq3A_99, %broadcast_in_dim3A_101, %get3A_87 : vector<16x8192xi1>, vector<16x8192xf32>
      %swap3A = arith.constant 0 : index
      %swap3A_103 = arith.constant 0 : index
      %swap3A_104 = vector.load %arg8[%swap3A, %swap3A_103] : memref<16x8192xf32, #tpu.memory_space<vmem>>, vector<16x8192xf32>
      tpu.vector_store %arg8[%swap3A, %swap3A_103], %select_n3A_102 {strides = array<i32>} : memref<16x8192xf32, #tpu.memory_space<vmem>>, vector<16x8192xf32>,
      %add3A_105 = vector.broadcast %mul3A_12 : i32 to vector<16x1xi32>
      %add3A_106 = arith.addi %broadcast_in_dim3A_97, %add3A_105 : vector<16x1xi32>
      %get3A_107 = arith.constant 0 : index
      %get3A_108 = arith.constant 0 : index
      %get3A_109 = vector.load %arg5[%get3A_107, %get3A_108] : memref<16x8xf32, #tpu.memory_space<vmem>>, vector<16x8xf32>
      %get3A_110 = arith.constant 0 : index
      %get3A_111 = arith.constant 0 : index
      %get3A_112 = vector.load %arg6[%get3A_110, %get3A_111] : memref<16x8xi32, #tpu.memory_space<vmem>>, vector<16x8xi32>
      %lt3A_113 = vector.broadcast %broadcast_in_dim3A_89 : vector<16x1xf32> to vector<16x8xf32>
      %lt3A_114 = arith.cmpf olt, %lt3A_113, %get3A_109 : vector<16x8xf32>
      %broadcast_in_dim3A_115 = arith.constant 0xFF800000 : f32
      %broadcast_in_dim3A_116 = vector.broadcast %broadcast_in_dim3A_115 : f32 to vector<16x1xf32>
      %slice3A = vector.extract_strided_slice %get3A_109 {offsets = [0, 0], sizes = [16, 7], strides = [1, 1]} : vector<16x8xf32> to vector<16x7xf32>
      %concatenate3A = tpu.concatenate %broadcast_in_dim3A_116, %slice3A in 1 : vector<16x1xf32>, vector<16x7xf32> -> vector<16x8xf32>
      %lt3A_117 = vector.broadcast %broadcast_in_dim3A_89 : vector<16x1xf32> to vector<16x8xf32>
      %lt3A_118 = arith.cmpf olt, %lt3A_117, %concatenate3A : vector<16x8xf32>
      %slice3A_119 = vector.extract_strided_slice %get3A_112 {offsets = [0, 0], sizes = [16, 1], strides = [1, 1]} : vector<16x8xi32> to vector<16x1xi32>
      %slice3A_120 = vector.extract_strided_slice %get3A_112 {offsets = [0, 0], sizes = [16, 7], strides = [1, 1]} : vector<16x8xi32> to vector<16x7xi32>
      %concatenate3A_121 = tpu.concatenate %slice3A_119, %slice3A_120 in 1 : vector<16x1xi32>, vector<16x7xi32> -> vector<16x8xi32>
      %broadcast_in_dim3A_122 = vector.shape_cast %broadcast_in_dim3A_89 : vector<16x1xf32> to vector<16x1xf32>
      %broadcast_in_dim3A_123 = vector.broadcast %broadcast_in_dim3A_122 : vector<16x1xf32> to vector<16x8xf32>
      %broadcast_in_dim3A_124 = vector.shape_cast %add3A_106 : vector<16x1xi32> to vector<16x1xi32>
      %broadcast_in_dim3A_125 = vector.broadcast %broadcast_in_dim3A_124 : vector<16x1xi32> to vector<16x8xi32>
      %select_n3A_126 = arith.select %lt3A_118, %concatenate3A, %broadcast_in_dim3A_123 : vector<16x8xi1>, vector<16x8xf32>
      %select_n3A_127 = arith.select %lt3A_114, %select_n3A_126, %get3A_109 : vector<16x8xi1>, vector<16x8xf32>
      %swap3A_128 = arith.constant 0 : index
      %swap3A_129 = arith.constant 0 : index
      %swap3A_130 = vector.load %arg5[%swap3A_128, %swap3A_129] : memref<16x8xf32, #tpu.memory_space<vmem>>, vector<16x8xf32>
      tpu.vector_store %arg5[%swap3A_128, %swap3A_129], %select_n3A_127 {strides = array<i32>} : memref<16x8xf32, #tpu.memory_space<vmem>>, vector<16x8xf32>,
      %select_n3A_131 = arith.select %lt3A_118, %concatenate3A_121, %broadcast_in_dim3A_125 : vector<16x8xi1>, vector<16x8xi32>
      %select_n3A_132 = arith.select %lt3A_114, %select_n3A_131, %get3A_112 : vector<16x8xi1>, vector<16x8xi32>
      %swap3A_133 = arith.constant 0 : index
      %swap3A_134 = arith.constant 0 : index
      %swap3A_135 = vector.load %arg6[%swap3A_133, %swap3A_134] : memref<16x8xi32, #tpu.memory_space<vmem>>, vector<16x8xi32>
      tpu.vector_store %arg6[%swap3A_133, %swap3A_134], %select_n3A_132 {strides = array<i32>} : memref<16x8xi32, #tpu.memory_space<vmem>>, vector<16x8xi32>,
    } else {
    }
    %eq3A_80 = arith.constant 122 : i32
    %eq3A_81 = arith.cmpi eq, %arg0, %eq3A_80 : i32
    %convert_element_type3A_82 = arith.extui %eq3A_81 : i1 to i32
    %cond3A_83 = arith.constant 0 : i32
    %cond3A_84 = arith.cmpi ne, %convert_element_type3A_82, %cond3A_83 : i32
    scf.if %cond3A_84 {
      %mul3A_85 = arith.mulf %get3A_3, %get3A_3 : vector<16x64xf32>
      %reduce_sum3A_86 = arith.constant dense<0.000000e+00> : vector<16xf32>
      %reduce_sum3A_87 = vector.multi_reduction <add>, %mul3A_85, %reduce_sum3A_86 [1] : vector<16x64xf32> to vector<16xf32>
      %broadcast_in_dim3A_88 = vector.shape_cast %reduce_sum3A_87 : vector<16xf32> to vector<16x1xf32>
      %get3A_89 = arith.constant 0 : index
      %get3A_90 = arith.constant 0 : index
      %get3A_91 = vector.load %arg5[%get3A_89, %get3A_90] : memref<16x8xf32, #tpu.memory_space<vmem>>, vector<16x8xf32>
      %add3A_92 = vector.broadcast %broadcast_in_dim3A_88 : vector<16x1xf32> to vector<16x8xf32>
      %add3A_93 = arith.addf %get3A_91, %add3A_92 : vector<16x8xf32>
      %swap3A = arith.constant 0 : index
      %swap3A_94 = arith.constant 0 : index
      %swap3A_95 = vector.load %arg5[%swap3A, %swap3A_94] : memref<16x8xf32, #tpu.memory_space<vmem>>, vector<16x8xf32>
      tpu.vector_store %arg5[%swap3A, %swap3A_94], %add3A_93 {strides = array<i32>} : memref<16x8xf32, #tpu.memory_space<vmem>>, vector<16x8xf32>,
    } else {
    }
    return
  }
  func.func @transform_0(%arg0: i32) -> (i32, i32) {
    %c0_i32 = arith.constant 0 : i32
    %c0_i32_0 = arith.constant 0 : i32
    %c0_i32_1 = arith.constant 0 : i32
    return %c0_i32, %c0_i32_0 : i32, i32
  }
  func.func @transform_1(%arg0: i32) -> (i32, i32) {
    %c0_i32 = arith.constant 0 : i32
    %c0_i32_0 = arith.constant 0 : i32
    %c0_i32_1 = arith.constant 0 : i32
    return %c0_i32, %c0_i32_0 : i32, i32
  }
  func.func @transform_2(%arg0: i32) -> (i32, i32) {
    %c0_i32 = arith.constant 0 : i32
    %c0_i32_0 = arith.constant 0 : i32
    %c0_i32_1 = arith.constant 0 : i32
    return %c0_i32, %c0_i32_0 : i32, i32
  }
  func.func @transform_3(%arg0: i32) -> (i32, i32) {
    %c0_i32 = arith.constant 0 : i32
    %c0_i32_0 = arith.constant 0 : i32
    return %arg0, %c0_i32 : i32, i32
  }
  func.func @transform_4(%arg0: i32) -> (i32, i32) {
    %c0_i32 = arith.constant 0 : i32
    %c0_i32_0 = arith.constant 0 : i32
    %c0_i32_1 = arith.constant 0 : i32
    return %c0_i32, %c0_i32_0 : i32, i32
  }
  func.func @transform_5(%arg0: i32) -> (i32, i32) {
    %c0_i32 = arith.constant 0 : i32
    %c0_i32_0 = arith.constant 0 : i32
    %c0_i32_1 = arith.constant 0 : i32
    return %c0_i32, %c0_i32_0 : i32, i32
  }
}

module attributes {stable_mosaic.version = 14 : i64} {
  func.func @_decode_body(%arg0: i32, %arg1: memref<16x1024xf32, #tpu.memory_space<vmem>>, %arg2: memref<128x64xf32, #tpu.memory_space<vmem>>, %arg3: memref<1088x1024xf32, #tpu.memory_space<vmem>>, %arg4: memref<1x1024xf32, #tpu.memory_space<vmem>>, %arg5: memref<1024x3200xf32, #tpu.memory_space<vmem>>, %arg6: memref<1x3200xf32, #tpu.memory_space<vmem>>, %arg7: memref<16x3200xf32, #tpu.memory_space<vmem>>, %arg8: memref<16x1024xf32, #tpu.memory_space<vmem>>) attributes {dimension_semantics = [#tpu.dimension_semantics<arbitrary>], iteration_bounds = array<i64: 10>, scalar_prefetch = 0 : i64, scratch_operands = 1 : i64, tpu.core_type = #tpu.core_type<tc>, window_params = [{pipeline_mode = #tpu.pipeline_mode<synchronous>, transform_indices = @transform_0, window_bounds = array<i64: 16, 1024>}, {pipeline_mode = #tpu.pipeline_mode<synchronous>, transform_indices = @transform_1, window_bounds = array<i64: 128, 64>}, {pipeline_mode = #tpu.pipeline_mode<synchronous>, transform_indices = @transform_2, window_bounds = array<i64: 1088, 1024>}, {pipeline_mode = #tpu.pipeline_mode<synchronous>, transform_indices = @transform_3, window_bounds = array<i64: 1, 1024>}, {transform_indices = @transform_4, window_bounds = array<i64: 1024, 3200>}, {transform_indices = @transform_5, window_bounds = array<i64: 1, 3200>}, {transform_indices = @transform_6, window_bounds = array<i64: 16, 3200>}]} {
    %eq3A = arith.constant 0 : i32
    %eq3A_0 = arith.cmpi eq, %arg0, %eq3A : i32
    %convert_element_type3A = arith.extui %eq3A_0 : i1 to i32
    %cond3A = arith.constant 0 : i32
    %cond3A_1 = arith.cmpi ne, %convert_element_type3A, %cond3A : i32
    scf.if %cond3A_1 {
      %get3A_14 = arith.constant 0 : index
      %get3A_15 = arith.constant 0 : index
      %get3A_16 = vector.load %arg2[%get3A_14, %get3A_15] : memref<128x64xf32, #tpu.memory_space<vmem>>, vector<128x64xf32>
      %iota3A = tpu.iota {dimensions = array<i32: 0>} : vector<16x128xi32>
      %iota3A_17 = tpu.iota {dimensions = array<i32: 1>} : vector<16x128xi32>
      %shift_right_arithmetic3A = arith.constant 3 : i32
      %shift_right_arithmetic3A_18 = vector.broadcast %shift_right_arithmetic3A : i32 to vector<16x128xi32>
      %shift_right_arithmetic3A_19 = arith.shrsi %iota3A_17, %shift_right_arithmetic3A_18 : vector<16x128xi32>
      %eq3A_20 = arith.cmpi eq, %shift_right_arithmetic3A_19, %iota3A : vector<16x128xi32>
      %jit3A = arith.constant 1.250000e-01 : f32
      %jit3A_21 = arith.constant 0.000000e+00 : f32
      %broadcast_in_dim3A = vector.broadcast %jit3A : f32 to vector<16x128xf32>
      %broadcast_in_dim3A_22 = vector.broadcast %jit3A_21 : f32 to vector<16x128xf32>
      %select_n3A = arith.select %eq3A_20, %broadcast_in_dim3A, %broadcast_in_dim3A_22 : vector<16x128xi1>, vector<16x128xf32>
      %dot_general3A_23 = arith.constant dense<0.000000e+00> : vector<16x64xf32>
      %dot_general3A_24 = tpu.matmul %select_n3A, %get3A_16, %dot_general3A_23 {dimension_numbers = #tpu.dot_dimension_numbers<[1], [0], [0], [1], [0, 0, 1, 1], [], []>, precision = #tpu.contract_precision<fp32>, transpose_lhs_hint = false} : vector<16x128xf32>, vector<128x64xf32>, vector<16x64xf32> -> vector<16x64xf32>
      %get3A_25 = arith.constant 0 : index
      %get3A_26 = arith.constant 0 : index
      %get3A_27 = vector.load %arg1[%get3A_25, %get3A_26] : memref<16x1024xf32, #tpu.memory_space<vmem>>, vector<16x1024xf32>
      %get3A_28 = arith.constant 0 : index
      %get3A_29 = arith.constant 0 : index
      %get3A_30 = vector.load %arg3[%get3A_28, %get3A_29] : memref<1088x1024xf32, #tpu.memory_space<vmem>>, vector<1024x1024xf32>
      %dot_general3A_31 = arith.constant dense<0.000000e+00> : vector<16x1024xf32>
      %dot_general3A_32 = tpu.matmul %get3A_27, %get3A_30, %dot_general3A_31 {dimension_numbers = #tpu.dot_dimension_numbers<[1], [0], [0], [1], [0, 0, 1, 1], [], []>, transpose_lhs_hint = false} : vector<16x1024xf32>, vector<1024x1024xf32>, vector<16x1024xf32> -> vector<16x1024xf32>
      %get3A_33 = arith.constant 1024 : index
      %get3A_34 = arith.constant 0 : index
      %get3A_35 = vector.load %arg3[%get3A_33, %get3A_34] : memref<1088x1024xf32, #tpu.memory_space<vmem>>, vector<64x1024xf32>
      %dot_general3A_36 = arith.constant dense<0.000000e+00> : vector<16x1024xf32>
      %dot_general3A_37 = tpu.matmul %dot_general3A_24, %get3A_35, %dot_general3A_36 {dimension_numbers = #tpu.dot_dimension_numbers<[1], [0], [0], [1], [0, 0, 1, 1], [], []>, transpose_lhs_hint = false} : vector<16x64xf32>, vector<64x1024xf32>, vector<16x1024xf32> -> vector<16x1024xf32>
      %add3A_38 = arith.addf %dot_general3A_32, %dot_general3A_37 : vector<16x1024xf32>
      %get3A_39 = arith.constant 0 : index
      %get3A_40 = arith.constant 0 : index
      %get3A_41 = vector.load %arg4[%get3A_39, %get3A_40] : memref<1x1024xf32, #tpu.memory_space<vmem>>, vector<1x1024xf32>
      %add3A_42 = vector.broadcast %get3A_41 : vector<1x1024xf32> to vector<16x1024xf32>
      %add3A_43 = arith.addf %add3A_38, %add3A_42 : vector<16x1024xf32>
      %tanh3A = math.tanh %add3A_43 : vector<16x1024xf32>
      %swap3A_44 = arith.constant 0 : index
      %swap3A_45 = arith.constant 0 : index
      %swap3A_46 = vector.load %arg8[%swap3A_44, %swap3A_45] : memref<16x1024xf32, #tpu.memory_space<vmem>>, vector<16x1024xf32>
      tpu.vector_store %arg8[%swap3A_44, %swap3A_45], %tanh3A {strides = array<i32>} : memref<16x1024xf32, #tpu.memory_space<vmem>>, vector<16x1024xf32>,
    } else {
    }
    %get3A = arith.constant 0 : index
    %get3A_2 = arith.constant 0 : index
    %get3A_3 = vector.load %arg8[%get3A, %get3A_2] : memref<16x1024xf32, #tpu.memory_space<vmem>>, vector<16x1024xf32>
    %get3A_4 = arith.constant 0 : index
    %get3A_5 = arith.constant 0 : index
    %get3A_6 = vector.load %arg5[%get3A_4, %get3A_5] : memref<1024x3200xf32, #tpu.memory_space<vmem>>, vector<1024x3200xf32>
    %dot_general3A = arith.constant dense<0.000000e+00> : vector<16x3200xf32>
    %dot_general3A_7 = tpu.matmul %get3A_3, %get3A_6, %dot_general3A {dimension_numbers = #tpu.dot_dimension_numbers<[1], [0], [0], [1], [0, 0, 1, 1], [], []>, transpose_lhs_hint = false} : vector<16x1024xf32>, vector<1024x3200xf32>, vector<16x3200xf32> -> vector<16x3200xf32>
    %get3A_8 = arith.constant 0 : index
    %get3A_9 = arith.constant 0 : index
    %get3A_10 = vector.load %arg6[%get3A_8, %get3A_9] : memref<1x3200xf32, #tpu.memory_space<vmem>>, vector<1x3200xf32>
    %add3A = vector.broadcast %get3A_10 : vector<1x3200xf32> to vector<16x3200xf32>
    %add3A_11 = arith.addf %dot_general3A_7, %add3A : vector<16x3200xf32>
    %swap3A = arith.constant 0 : index
    %swap3A_12 = arith.constant 0 : index
    %swap3A_13 = vector.load %arg7[%swap3A, %swap3A_12] : memref<16x3200xf32, #tpu.memory_space<vmem>>, vector<16x3200xf32>
    tpu.vector_store %arg7[%swap3A, %swap3A_12], %add3A_11 {strides = array<i32>} : memref<16x3200xf32, #tpu.memory_space<vmem>>, vector<16x3200xf32>,
    return
  }
  func.func @transform_0(%arg0: i32) -> (i32, i32) {
    %c0_i32 = arith.constant 0 : i32
    %c0_i32_0 = arith.constant 0 : i32
    %c0_i32_1 = arith.constant 0 : i32
    return %c0_i32, %c0_i32_0 : i32, i32
  }
  func.func @transform_1(%arg0: i32) -> (i32, i32) {
    %c0_i32 = arith.constant 0 : i32
    %c0_i32_0 = arith.constant 0 : i32
    %c0_i32_1 = arith.constant 0 : i32
    return %c0_i32, %c0_i32_0 : i32, i32
  }
  func.func @transform_2(%arg0: i32) -> (i32, i32) {
    %c0_i32 = arith.constant 0 : i32
    %c0_i32_0 = arith.constant 0 : i32
    %c0_i32_1 = arith.constant 0 : i32
    return %c0_i32, %c0_i32_0 : i32, i32
  }
  func.func @transform_3(%arg0: i32) -> (i32, i32) {
    %c0_i32 = arith.constant 0 : i32
    %c0_i32_0 = arith.constant 0 : i32
    %c0_i32_1 = arith.constant 0 : i32
    return %c0_i32, %c0_i32_0 : i32, i32
  }
  func.func @transform_4(%arg0: i32) -> (i32, i32) {
    %c0_i32 = arith.constant 0 : i32
    %c0_i32_0 = arith.constant 0 : i32
    return %c0_i32, %arg0 : i32, i32
  }
  func.func @transform_5(%arg0: i32) -> (i32, i32) {
    %c0_i32 = arith.constant 0 : i32
    %c0_i32_0 = arith.constant 0 : i32
    return %c0_i32, %arg0 : i32, i32
  }
  func.func @transform_6(%arg0: i32) -> (i32, i32) {
    %c0_i32 = arith.constant 0 : i32
    %c0_i32_0 = arith.constant 0 : i32
    return %c0_i32, %arg0 : i32, i32
  }
}

</mosaic_0001>

<sc_bundles>
// kernel: kernel.5.cloned.1.call-start
scs
__scs_entry_jumppad:
0x0: {  	(pc) =	sbr.rel $0x88, $3  }
0x1: {  	(tag) =	ssettag $0x0;
	lr =	simm.s32 $0x1  }
0x2: {  	[smem:$0x3F98] =	sst lr;
	_ =	strace $0xD0000000  }
0x3: {  	_ = 	snop  }
0x4: {  	_ = 	snop  }
0x5: {  	_ = 	snop  }
0x6: {  	_ = 	snop  }
0x7: {  	_ = 	snop  }
__scs_overlays_trampoline_lowered:
0x8: {  	[smem:$0x3FA7] =	sst s0  }
0x9: {  	[smem:$0x3FA8] =	sst s1  }
0xa: {  	[smem:$0x3FA9] =	sst s2  }
0xb: {  	[smem:$0x3FAA] =	sst s3  }
0xc: {  	[smem:$0x3FAB] =	sst s4  }
0xd: {  	[smem:$0x3FAC] =	sst s5  }
0xe: {  	[smem:$0x3FAD] =	sst s6  }
0xf: {  	[smem:$0x3FAE] =	sst s7  }
0x10: {  	[smem:$0x3FAF] =	sst s8  }
0x11: {  	[smem:$0x3FB0] =	sst s9;
	s0 =	simm.s32 @!p0 $0x0  }
0x12: {  	s1 =	sld [smem:$0x3F96];
	s0 =	simm.s32 @p0 $0x1  }
0x13: {  	[smem:$0x3FB1] =	sst s0;
	s0 =	simm.s32 @!p1 $0x0  }
0x14: {  	s2 =	sld [smem:$0x3F95];
	s0 =	simm.s32 @p1 $0x1  }
0x15: {  	[smem:$0x3FB2] =	sst s0;
	s0 =	simm.s32 @!p2 $0x0  }
0x16: {  	s3 =	sld [smem:$0x3FDB];
	s0 =	simm.s32 @p2 $0x1  }
0x17: {  	s4 =	simm.s32 $0x1BF5;
	[smem:$0x3FB4] =	sst s0  }
0x18: {  	s0 =	sld [smem:$0x3F97];
	_ =	swait.ge [sflag:s4], $0x0  }
0x19: {  	s7 =	sld [smem:$0x3F98]  }
0x1a: {  	s8 =	sadd.s32 $0xFFFFE003, lr  }
0x1b: {  	s9 =	sadd.s32 $0xFFFFFEF7, lr;
	s5 =	simm.s32 $0xFFFFFFFF;
	p2 =	slt.u32 s8, $0xFFFFF086  }
0x1c: {  	p1 =	slt.u32 s9, $0xF7A;
	s5 =	simm.s32 @!p2 $0x0  }
0x1d: {  	s5 =	simm.s32 @p1 $0x1;
	p0 =	seq.s32 s7, s2  }
0x1e: {  	s7 =	smul.u32 @!p0 $0xF7A, s2;
	p2 =	seq.s32 @!p0 s5, $0x0  }
0x1f: {  	s9 =	smul.u32 $0xF7A, s1;
	s8 =	simm.s32 @!p0 $0x1BF5;
	p2 =	por !p2, p0  }
0x20: {  	[sflag:s8] =	ssyncset.s32 @!p0 $0xFFFFF086;
	s6 =	sadd.s32 @!p0 s3, s7;
	s7 =	simm.s32 @!p0 $0x108  }
0x21: {  	s3 =	sadd.s32 s3, s9;
	s6 =	sadd.s32 @!p0 $0x88, s6;
	s7 =	simm.s32 @p2 $0x1082  }
0x22: {  	[simem:s7], [sflag:s8] =	dma.local @!p0 [hbm:s6], $0xF7A  }
0x23: {  	s9 =	sor.u32 $0xD0000000, s2;
	s6 =	simm.s32 $0x108;
	_ =	swait.ge @!p0 [sflag:s8], $0x0  }
0x24: {  	s3 =	sadd.s32 $0x88, s3;
	s6 =	simm.s32 @!p1 $0x1082;
	[sflag:s4] =	ssyncset.s32 $0xFFFFF086  }
0x25: {  	[simem:s6], [sflag:s4] =	dma.local [hbm:s3], $0xF7A  }
0x26: {  	[smem:$0x3F98] =	sst s1;
	(tag) =	ssettag s2;
	_ =	strace s9  }
0x27: {  	s1 =	sld [smem:$0x3FA8]  }
0x28: {  	s2 =	sld [smem:$0x3FA9]  }
0x29: {  	s4 =	sld [smem:$0x3FAB]  }
0x2a: {  	p0 =	seq.s32 s5, $0x0;
	s5 =	sld [smem:$0x3FAC]  }
0x2b: {  	s6 =	sld [smem:$0x3FAD]  }
0x2c: {  	s7 =	sld [smem:$0x3FAE]  }
0x2d: {  	s3 =	simm.s32 $0x108;
	s8 =	sld [smem:$0x3FAF]  }
0x2e: {  	s3 =	simm.s32 @!p0 $0x1082;
	s9 =	sld [smem:$0x3FB0]  }
0x2f: {  	lr =	sadd.s32 s0, s3;
	s0 =	sld [smem:$0x3FA7]  }
0x30: {  	s3 =	sld [smem:$0x3FAA]  }
0x31: {  	[smem:$0x3FB3] =	sst s10  }
0x32: {  	s10 =	sld [smem:$0x3FB1];
	_ =	sdelay $0x3  }
0x33: {  	p0 =	seq.s32 s10, $0x1;
	s10 =	sld [smem:$0x3FB3];
	_ =	sdelay $0x3  }
0x34: {  	[smem:$0x3FB3] =	sst s10  }
0x35: {  	s10 =	sld [smem:$0x3FB2];
	_ =	sdelay $0x3  }
0x36: {  	p1 =	seq.s32 s10, $0x1;
	s10 =	sld [smem:$0x3FB3];
	_ =	sdelay $0x3  }
0x37: {  	[smem:$0x3FB3] =	sst s10  }
0x38: {  	s10 =	sld [smem:$0x3FB4]  }
0x39: {  	_ = 	snop;
	(pc) =	sbr.ind lr, $3  }
0x3a: {  	_ = 	snop  }
0x3b: {  	_ = 	snop  }
0x3c: {  	p2 =	seq.s32 s10, $0x1;
	s10 =	sld [smem:$0x3FB3]  }
0x3d: {  	_ =	shalt  }
0x3e: {  	_ =	shalt  }
0x3f: {  	_ =	shalt  }
0x40: {  	_ =	shalt  }
0x41: {  	_ =	shalt  }
0x42: {  	_ =	shalt  }
0x43: {  	_ =	shalt  }
0x44: {  	_ =	shalt  }
0x45: {  	_ =	shalt  }
0x46: {  	_ =	shalt  }
0x47: {  	_ =	shalt  }
0x48: {  	_ =	shalt  }
0x49: {  	_ =	shalt  }
0x4a: {  	_ =	shalt  }
0x4b: {  	_ =	shalt  }
0x4c: {  	_ =	shalt  }
0x4d: {  	_ =	shalt  }
0x4e: {  	_ =	shalt  }
0x4f: {  	_ =	shalt  }
0x50: {  	_ =	shalt  }
0x51: {  	_ =	shalt  }
0x52: {  	_ =	shalt  }
0x53: {  	_ =	shalt  }
0x54: {  	_ =	shalt  }
0x55: {  	_ =	shalt  }
0x56: {  	_ =	shalt  }
0x57: {  	_ =	shalt  }
0x58: {  	_ =	shalt  }
0x59: {  	_ =	shalt  }
0x5a: {  	_ =	shalt  }
0x5b: {  	_ =	shalt  }
0x5c: {  	_ =	shalt  }
0x5d: {  	_ =	shalt  }
0x5e: {  	_ =	shalt  }
0x5f: {  	_ =	shalt  }
0x60: {  	_ =	shalt  }
0x61: {  	_ =	shalt  }
0x62: {  	_ =	shalt  }
0x63: {  	_ =	shalt  }
0x64: {  	_ =	shalt  }
0x65: {  	_ =	shalt  }
0x66: {  	_ =	shalt  }
0x67: {  	_ =	shalt  }
0x68: {  	_ =	shalt  }
0x69: {  	_ =	shalt  }
0x6a: {  	_ =	shalt  }
0x6b: {  	_ =	shalt  }
0x6c: {  	_ =	shalt  }
0x6d: {  	_ =	shalt  }
0x6e: {  	_ =	shalt  }
0x6f: {  	_ =	shalt  }
0x70: {  	_ =	shalt  }
0x71: {  	_ =	shalt  }
0x72: {  	_ =	shalt  }
0x73: {  	_ =	shalt  }
0x74: {  	_ =	shalt  }
0x75: {  	_ =	shalt  }
0x76: {  	_ =	shalt  }
0x77: {  	_ =	shalt  }
0x78: {  	_ =	shalt  }
0x79: {  	_ =	shalt  }
0x7a: {  	_ =	shalt  }
0x7b: {  	_ =	shalt  }
0x7c: {  	_ =	shalt  }
0x7d: {  	_ =	shalt  }
0x7e: {  	_ =	shalt  }
0x7f: {  	_ =	shalt  }
0x80: {  	_ =	shalt  }
0x81: {  	_ =	shalt  }
0x82: {  	_ =	shalt  }
0x83: {  	_ =	shalt  }
0x84: {  	_ =	shalt  }
0x85: {  	_ =	shalt  }
0x86: {  	_ =	shalt  }
0x87: {  	_ =	shalt  }
.Lfunc_end0:
.L_simem_size_0:
called_computation_lowered:
.L_overlay_start_0:
0x88: {  	s2 =	sld [smem:$0x3FD9]  }
0x89: {  	s3 =	sld [smem:$0x3FFE];
	_ =	sdelay $0x1  }
0x8a: {  	s1 =	srdreg.scid  }
0x8b: {  	s0 =	sand.u32 $0x1, s1  }
0x8c: {  	s14 =	sshll.u32 s0, $0xA;
	s2 =	sadd.s32 s3, s2  }
0x8d: {  	s2 =	sadd.s32 s2, s14  }
0x8e: {  	[smem:$0x3FBF] =	sst s2  }
0x8f: {  	_ = 	snop  }
0x90: {  	s2 =	sld [smem:$0x3FD0];
	_ =	sdelay $0x2  }
0x91: {  	s15 =	simm.s32 $0xA;
	s4 =	simm.s32 $0x10  }
0x92: {  	[smem:s4], [sflag:s15] =	dma.local [hbm:s2], $0x1  }
0x93: {  	_ =	swait.eq [sflag:s15], $0x1  }
0x94: {  	[sflag:s15] =	ssyncset.done $0x0  }
0x95: {  	[sflag:s15] =	ssyncadd.s32 $0xFFFFFFFF  }
0x96: {  	s16 =	sld [smem:$0x10];
	(tm) =	ssettm $0x1  }
0x97: {  	s17 =	sld [smem:$0x3FFB];
	_ =	sdelay $0x3  }
0x98: {  	_ =	strace s17  }
0x99: {  	s3 =	sld [smem:$0x3FFC];
	_ =	sdelay $0x3  }
0x9a: {  	_ =	strace s3  }
0x9b: {  	s3 =	sld [smem:$0x3FFD];
	_ =	sdelay $0x3  }
0x9c: {  	_ =	strace s3  }
0x9d: {  	_ =	strace $0x8FFFFFFF  }
0x9e: {  	s18 =	sld [smem:$0x3FDB];
	_ =	sdelay $0x1  }
0x9f: {  	s19 =	simm.s32 $_scs_section_size  }
0xa0: {  	s5 =	simm.s32 $_size__tile_overlayer_lowered;
	s6 =	simm.s32 $_tile_overlayer_lowered  }
0xa1: {  	s22 =	simm.s32 $0x1BFF;
	s21 =	sshll.u32 s6, $0x1;
	s3 =	sadd.s32 s19, s18  }
0xa2: {  	s7 =	simm.s32 $0x0;
	s20 =	sshll.u32 s5, $0x1;
	s5 =	sadd.s32 s21, s3  }
0xa3: {  	[timem:s7], [sflag:s22] =	dma.local [hbm:s5], s20  }
0xa4: {  	_ =	swait.ge [sflag:s22], s20  }
0xa5: {  	s4 =	ssub.s32 $0x0, s20;
	[sflag:s22] =	ssyncset.done $0x0  }
0xa6: {  	[sflag:s22] =	ssyncadd.s32 s4;
	_ =	sdelay $0x1  }
0xa7: {  	s23 =	simm.s32 $0x1B8B  }
0xa8: {  	_ =	swait.ge [sflag:s23], $0x1  }
0xa9: {  	[sflag:s23] =	ssyncset.done $0x0  }
0xaa: {  	s25 =	simm.s32 $0x1B8E;
	s24 =	sld [smem:$0x3FFE];
	[sflag:s23] =	ssyncadd.s32 $0xFFFFFFFF  }
0xab: {  	s26 =	simm.s32 $execute0_lowered;
	[smem:$0x3FD2] =	sst s25  }
0xac: {  	s5 =	sshll.u32 s26, $0x1;
	_ =	strace $0x80000046;
	[dreg:$0x1] =	wrdreg $0xFFFFFFFF  }
0xad: {  	s28 =	simm.s32 $_size_execute0_lowered;
	s3 =	sadd.s32 s3, s5;
	[dreg:$0x0] =	wrdreg $0x0  }
0xae: {  	s5 =	sshll.u32 s28, $0x1;
	[dreg:$0x2] =	wrdreg s3  }
0xaf: {  	[dreg:$0x3] =	wrdreg s5  }
0xb0: {  	[dreg:$0x4] =	wrdreg $0xC0  }
0xb1: {  	_ =	task [dreg:s7], $0x5FFFF  }
0xb2: {  	[dreg:$0x1] =	wrdreg $0xFFFFFFFF  }
0xb3: {  	[dreg:$0x0] =	wrdreg $0x60  }
0xb4: {  	[dreg:$0x2] =	wrdreg s24  }
0xb5: {  	[dreg:$0x3] =	wrdreg s16  }
0xb6: {  	[dreg:$0x4] =	wrdreg $0x9  }
0xb7: {  	_ =	task.clear_ibuf [dreg:s7], $0x5FFFF;
	_ =	strace $0x90000046  }
0xb8: {  	s29 =	simm.s32 $0x9;
	_ =	strace $0x80000048  }
0xb9: {  	_ =	swait.ge [sflag:s29], $0x1  }
0xba: {  	[sflag:s29] =	ssyncadd.s32 $0xFFFFFFFF  }
0xbb: {  	_ =	strace $0x90000048  }
0xbc: {  	_ =	sfence  }
0xbd: {  	s30 =	sld [smem:$0x0];
	_ =	sdelay $0x2  }
0xbe: {  	s31 =	sshll.u32 s1, $0xD;
	s1 =	sshrl.u32 s1, $0x2  }
0xbf: {  	s3 =	sand.u32 $0x4000, s31;
	s1 =	sadd.s32 s1, s30  }
0xc0: {  	s0 =	sor.u32 s3, s0;
	s1 =	sshll.u32 s1, $0x11  }
0xc1: {  	s0 =	sor.u32 s1, s0  }
0xc2: {  	s0 =	sadd.s32 $0x8F2B, s0  }
0xc3: {  	[sflag:s0] =	ssyncadd.remote.s32 $0x1  }
0xc4: {  	_ =	sfence.sel $0xFFFF  }
0xc5: {  	[dreg:$0x0] =	wrdreg $0xFFFFFFFF;
	(pc) =	sbr.abs _section_cstart, $3  }
0xc6: {  	[dreg:$0x1] =	wrdreg $0xFFFFFFFF  }
0xc7: {  	_ =	task.clear_ibuf [dreg:s7], $0x2FFFF;
	_ =	strace $0x9FFFFFFF  }
0xc8: {  	(tm) =	ssettm $0x7FFFFFFF  }
0xc9: {  	_ =	shalt  }
tec
execute0_lowered:
.L_overlay_start_1:
0x0: {  	(tag) =	ssettag $0x1  }
0x1: {  	s1 =	stileid.u32  }
0x2: {  	p0 =	sgt.u32 s1, $0x7  }
.Ltmp0:
0x3: {  	_ = 	snop;
	(pc) =	sbr.rel @p0 .LBB2_3-.Ltmp0, $4  }
0x4: {  	s5 =	rddreg [dreg:$0x0]  }
0x5: {  	s4 =	rddreg [dreg:$0x1];
	s2 =	simm.s32 $0x0  }
0x6: {  	[smem:$0x7FF] =	sst s2  }
0x7: {  	s0 =	rddreg [dreg:$0x2];
	_ =	strace $0x80000047  }
0x8: {  	s3 =	srdreg.scid  }
0x9: {  	s7 =	sshll.u32 s1, $0x1;
	s31 =	sadd.s32 $0x2200, s5;
	s6 =	sand.u32 $0x1, s3  }
0xa: {  	s3 =	sadd.s32 $0xF44C00, s5;
	s8 =	ssub.s32 $0x2, s6;
	s6 =	sor.u32 s6, s7  }
0xb: {  	s30 =	sshrl.u32 s8, $0x1;
	s9 =	sshll.u32 s6, $0x6;
	s5 =	sadd.s32 s31, s6  }
0xc: {  	s7 =	ssub.s32 s8, s30;
	s4 =	sadd.s32 s4, s9;
	s8 =	simm.s32 $0x10  }
0xd: {  	v0 =	vimm.s32 $0x0;
	s9 =	simm.s32 $0x1;
	s6 =	smax.u32 s7, $0x1;
	s7 =	simm.s32 $0x2  }
.LBB2_2:
0xe: {  	[tilespmem:$0x0] =	vst v0  }
0xf: {  	[tilespmem:s2], [sflag:$0x2] =	stream.linear.gather [hbm4b:s5+s2], $0x8, $0x38;
	[tilespmem:$0x410] =	vst v63  }
0x10: {  	_ =	swait.ge [sflag:s7], $0x8  }
0x11: {  	[sflag:s7] =	ssyncset.done $0x0  }
0x12: {  	[sflag:s7] =	ssyncadd.s32 $0xFFFFFFF8  }
0x13: {  	[tilespmem:s8], [sflag:$0x1] =	stream.indirect.gather [hbm4b:s3+s8], $0x40, s2, s8, $0xb8;
	[tilespmem:$0x410] =	vst v63  }
0x14: {  	_ =	swait.ge [sflag:s9], $0x400  }
0x15: {  	p0 =	sne.s32 s6, $0x1;
	[sflag:s9] =	ssyncset.done $0x0  }
.Ltmp1:
0x16: {  	[sflag:s9] =	ssyncadd.s32 $0xFFFFFC00;
	(pc) =	sbr.rel @p0 .LBB2_2-.Ltmp1, $4  }
0x17: {  	[hbm4b:s4+s2] =	stream.linear.scatter [tilespmem:s8], [sflag:$0x2], $0x200, $0x38;
	[tilespmem:$0x410] =	vst v63  }
0x18: {  	_ =	swait.ge [sflag:s7], $0x200  }
0x19: {  	[sflag:s7] =	ssyncset.done $0x0  }
0x1a: {  	s6 =	sadd.s32 $0xFFFFFFFF, s6;
	[sflag:s7] =	ssyncadd.s32 $0xFFFFFE00  }
.LBB2_3:
0x1b: {  	_ =	sfence.sel $0x180000  }
0x1c: {  	[bflag:$0x0] =	sbarrier.arrive $0xFFFF  }
0x1d: {  	p0 =	sne.s32 s1, $0x0;
	_ =	strace $0x90000047  }
0x1e: {  	s0 =	sadd.s32 @!p0 $0x100000, s0;
	[bflag:$0x2] =	sbarrier.arrive $0xFFFF  }
0x1f: {  	[sflag:s0] =	ssyncadd.tile.s32 @!p0 $0x1;
	_ =	shalt  }
.Lfunc_end2:
_tile_overlayer_lowered:
.L_overlay_start_2:
0x20: {  	(tag) =	ssettag $0x2  }
0x21: {  	s0 =	rddreg [dreg:$0x0];
	s2 =	stileid.u32  }
0x22: {  	s1 =	rddreg [dreg:$0x1];
	p0 =	sne.s32 s2, $0x0  }
0x23: {  	s3 =	rddreg [dreg:$0x2];
	[bflag:$0x3] =	sbarrier.arrive $0xFFFF;
	s2 =	simm.s32 @!p0 $0x1C02  }
0x24: {  	[timem:s3], [sflag:s2] =	dma.local @!p0 [hbm:s0], s1  }
0x25: {  	s0 =	simm.s32 @!p0 $0x2  }
0x26: {  	_ =	swait.ge @!p0 [sflag:s0], s1  }
0x27: {  	s1 =	ssub.s32 @!p0 $0x0, s1;
	[sflag:s0] =	ssyncset.done @!p0 $0x0  }
0x28: {  	[sflag:s0] =	ssyncadd.s32 @!p0 s1  }
0x29: {  	[bflag:$0x3] =	sbarrier.arrive $0xFFFF  }
0x2a: {  	_ =	shalt  }

</sc_bundles>
